<compile_context>
chip_gen: v7x
topology: tpu7x:2x2x1
jax: 0.10.2.dev20260603
libtpu: 0.0.44.dev20260713+nightly
codegen_flags: <defaults>
</compile_context>

<pallas_src>
import functools

import jax
import jax.numpy as jnp
from jax import lax
from jax.experimental import pallas as pl
from jax.experimental.pallas import tpu as pltpu
from jax.experimental.pallas import tpu_sc as plsc

VOCAB_SIZE = 100
EMB_DIM = 64
PAIR_W = 2 * VOCAB_SIZE
CHUNK = 256


def _table_body(emb_ref, projt_ref, bias_ref, out_ref):
    out_ref[...] = (
        jnp.dot(emb_ref[...], projt_ref[...], preferred_element_type=jnp.float32)
        + bias_ref[...]
    )


def _make_table(embed_weight, proj_weight, proj_bias):
    return pl.pallas_call(
        _table_body,
        out_shape=jax.ShapeDtypeStruct((VOCAB_SIZE, VOCAB_SIZE), jnp.float32),
    )(embed_weight, proj_weight.T, proj_bias.reshape(1, VOCAB_SIZE))


def _pair_body(table_ref, out_ref):
    t = table_ref[...]
    v = VOCAB_SIZE
    out_ref[:, :, 0, :] = jnp.broadcast_to(t[:, None, :], (v, v, v))
    out_ref[:, :, 1, :] = jnp.broadcast_to(t[None, :, :], (v, v, v))


def _make_pair_table(table):
    v = VOCAB_SIZE
    out = pl.pallas_call(
        _pair_body,
        out_shape=jax.ShapeDtypeStruct((v, v, 2, v), jnp.float32),
    )(table)
    return out.reshape(v * v, PAIR_W)


def _sc_gather(pair_table, ids3):
    nw, nchunk, cw = ids3.shape
    npair = cw // 2
    info = plsc.get_sparse_core_info()
    nc = info.num_cores

    mesh = plsc.VectorSubcoreMesh(core_axis_name="c", subcore_axis_name="s")

    @functools.partial(
        pl.kernel,
        mesh=mesh,
        out_type=jax.ShapeDtypeStruct((nw * nchunk, npair, PAIR_W), jnp.float32),
        scratch_types=[
            pltpu.VMEM((nchunk, cw), jnp.int32),
            pltpu.VMEM((nchunk, npair), jnp.int32),
            pltpu.VMEM((npair, PAIR_W), jnp.float32),
            pltpu.SemaphoreType.DMA,
        ],
        compiler_params=pltpu.CompilerParams(
            use_tc_tiling_on_sc=False, needs_layout_passes=False
        ),
    )
    def gather_kernel(ptab_hbm, idx_hbm, out_hbm, idx_v, pidx_v, rows_v, sem):
        wid = lax.axis_index("s") * nc + lax.axis_index("c")
        pltpu.sync_copy(idx_hbm.at[wid], idx_v)

        lane = lax.iota(jnp.int32, 16)

        def make_pairs(j, carry):
            jv = jnp.full((16,), j, dtype=jnp.int32)
            for s in range(npair // 16):
                pos = lane * 2 + (32 * s)
                a = plsc.load_gather(idx_v, [jv, pos])
                b = plsc.load_gather(idx_v, [jv, pos + 1])
                pidx_v[j, pl.ds(16 * s, 16)] = a * VOCAB_SIZE + b
            return carry

        lax.fori_loop(0, nchunk, make_pairs, 0)

        def body(j, carry):
            pltpu.async_copy(ptab_hbm.at[pidx_v.at[j]], rows_v, sem).wait()
            pltpu.sync_copy(rows_v, out_hbm.at[wid * nchunk + j])
            return carry

        lax.fori_loop(0, nchunk, body, 0)

    return gather_kernel(pair_table, ids3)


def kernel(input_ids, embed_weight, proj_weight, proj_bias):
    b, l = input_ids.shape
    n_tok = b * l
    nw = 32
    table = _make_table(embed_weight, proj_weight, proj_bias)
    pair_table = _make_pair_table(table)
    ids3 = input_ids.reshape(nw, n_tok // (nw * CHUNK), CHUNK).astype(jnp.int32)
    out = _sc_gather(pair_table, ids3)
    return out.reshape(b, l, VOCAB_SIZE)

# --- scband reference (transcript-rebuilt; emitter-appended) ---
"""Pipeline reference for scband-simple-logit-model-6871947673630 (READ-ONLY COPY).

The authoritative reference and input builder live on the scoring server;
editing this copy changes nothing except your own understanding.
"""

import jax, jax.numpy as jnp
import numpy as np

VOCAB = 100
EMBED_DIM = 64


def setup_inputs(seed: int = 0) -> dict:
    key = jax.random.key(seed)
    k_ids, k_emb, k_w, k_b = jax.random.split(key, 4)
    input_ids = jax.random.randint(k_ids, (4096, 200), 0, VOCAB, dtype=jnp.int64 if jax.config.read('jax_enable_x64') else jnp.int32)
    embed_weight = jax.random.normal(k_emb, (VOCAB, EMBED_DIM), dtype=jnp.float32)
    # nn.Linear default init: uniform(-1/sqrt(fan_in), 1/sqrt(fan_in))
    bound = 1.0 / np.sqrt(EMBED_DIM)
    proj_weight = jax.random.uniform(k_w, (VOCAB, EMBED_DIM), dtype=jnp.float32, minval=-bound, maxval=bound)
    proj_bias = jax.random.uniform(k_b, (VOCAB,), dtype=jnp.float32, minval=-bound, maxval=bound)
    return {
        'input_ids': input_ids,
        'embed_weight': embed_weight,
        'proj_weight': proj_weight,
        'proj_bias': proj_bias,
    }


def reference(input_ids, embed_weight, proj_weight, proj_bias):
    # x = self.embed(input_ids)
    x = jnp.take(embed_weight, input_ids, axis=0)  # [B, L, 64]
    # logits = self.proj(x)  (torch Linear: x @ W.T + b)
    logits = jnp.einsum('bld,vd->blv', x, proj_weight) + proj_bias
    return logits

if __name__ == "__main__":
    import jax
    _d = setup_inputs()
    print(jax.jit(kernel)(*tuple(_d.values())))

</pallas_src>

<mosaic_0001>
#map = affine_map<(d0, d1) -> (0, 0)>
#map1 = affine_map<(d0, d1) -> (0, 0, 0)>
module attributes {stable_mosaic.version = 14 : i64} {
  func.func @gather_kernel(%arg0: i32, %arg1: i32, %arg2: memref<10000x200xf32, #tpu.memory_space<hbm>>, %arg3: memref<32x100x256xi32, #tpu.memory_space<hbm>>, %arg4: memref<3200x128x200xf32, #tpu.memory_space<hbm>>, %arg5: memref<100x256xi32, #tpu.memory_space<vmem>>, %arg6: memref<100x128xi32, #tpu.memory_space<vmem>>, %arg7: memref<128x200xf32, #tpu.memory_space<vmem>>, %arg8: memref<!tpu.dma_semaphore, #tpu.memory_space<semaphore_mem>>) attributes {dimension_semantics = [#tpu.dimension_semantics<core_parallel>, #tpu.dimension_semantics<subcore_parallel>], iteration_bounds = array<i64: 2, 16>, scalar_prefetch = 0 : i64, scratch_operands = 4 : i64, tpu.core_type = #tpu.core_type<sc_vector_subcore>, window_params = [{transform_indices = #map}, {transform_indices = #map1}, {transform_indices = #map1}]} {
    %mul3A = arith.constant 2 : i32
    %mul3A_0 = arith.muli %arg1, %mul3A : i32
    %add3A = arith.addi %mul3A_0, %arg0 : i32
    "tpu.region"() ({
      %run_scoped3A = tpu.sem_alloc : memref<!tpu.dma_semaphore, #tpu.memory_space<semaphore_mem>>
      %dma_start3A = arith.constant 0 : i32
      %dma_start3A_12 = arith.constant 0 : i32
      %dma_start3A_13 = tpu.memref_slice %arg3[%add3A, %dma_start3A, %dma_start3A_12] : memref<32x100x256xi32, #tpu.memory_space<hbm>> -> memref<1x100x256xi32, #tpu.memory_space<hbm>>
      %dma_start3A_14 = tpu.memref_squeeze %dma_start3A_13 : memref<1x100x256xi32, #tpu.memory_space<hbm>> -> memref<100x256xi32, #tpu.memory_space<hbm>>
      %dma_start3A_15 = arith.constant 0 : i32
      %dma_start3A_16 = arith.constant 0 : i32
      %dma_start3A_17 = tpu.memref_slice %arg3[%add3A, %dma_start3A_15, %dma_start3A_16] : memref<32x100x256xi32, #tpu.memory_space<hbm>> -> memref<1x100x256xi32, #tpu.memory_space<hbm>>
      %dma_start3A_18 = tpu.memref_squeeze %dma_start3A_17 : memref<1x100x256xi32, #tpu.memory_space<hbm>> -> memref<100x256xi32, #tpu.memory_space<hbm>>
      tpu.enqueue_dma source(%dma_start3A_18 : memref<100x256xi32, #tpu.memory_space<hbm>>) target(%arg5 : memref<100x256xi32, #tpu.memory_space<vmem>>) target_semaphore(%run_scoped3A : memref<!tpu.dma_semaphore, #tpu.memory_space<semaphore_mem>>)
      %dma_wait3A = arith.constant 0 : i32
      %dma_wait3A_19 = arith.constant 0 : i32
      %dma_wait3A_20 = tpu.memref_slice %arg3[%add3A, %dma_wait3A, %dma_wait3A_19] : memref<32x100x256xi32, #tpu.memory_space<hbm>> -> memref<1x100x256xi32, #tpu.memory_space<hbm>>
      %dma_wait3A_21 = tpu.memref_squeeze %dma_wait3A_20 : memref<1x100x256xi32, #tpu.memory_space<hbm>> -> memref<100x256xi32, #tpu.memory_space<hbm>>
      %dma_wait3A_22 = arith.constant 0 : i32
      %dma_wait3A_23 = arith.constant 0 : i32
      %dma_wait3A_24 = tpu.memref_slice %arg3[%add3A, %dma_wait3A_22, %dma_wait3A_23] : memref<32x100x256xi32, #tpu.memory_space<hbm>> -> memref<1x100x256xi32, #tpu.memory_space<hbm>>
      %dma_wait3A_25 = tpu.memref_squeeze %dma_wait3A_24 : memref<1x100x256xi32, #tpu.memory_space<hbm>> -> memref<100x256xi32, #tpu.memory_space<hbm>>
      tpu.wait_dma2 semaphore(%run_scoped3A : memref<!tpu.dma_semaphore, #tpu.memory_space<semaphore_mem>>) src(%dma_wait3A_25 : memref<100x256xi32, #tpu.memory_space<hbm>>) dst(%arg5 : memref<100x256xi32, #tpu.memory_space<vmem>>)
      tpu.yield
    }) : () -> ()
    %iota3A = tpu.iota {dimensions = array<i32: 0>} : vector<16xi32>
    %scan3A = arith.constant 0 : i32
    %scan3A_1 = arith.constant 0 : i32
    %scan3A_2 = arith.constant 100 : i32
    %scan3A_3 = arith.addi %scan3A_1, %scan3A_2 : i32
    %scan3A_4 = arith.constant 1 : i32
    scf.for %scan3A_12 = %scan3A_1 to %scan3A_3 step %scan3A_4  : i32 {
      %broadcast_in_dim3A = vector.broadcast %scan3A_12 : i32 to vector<16xi32>
      %mul3A_13 = arith.constant 2 : i32
      %mul3A_14 = vector.broadcast %mul3A_13 : i32 to vector<16xi32>
      %mul3A_15 = arith.muli %iota3A, %mul3A_14 : vector<16xi32>
      %add3A_16 = arith.constant 0 : i32
      %add3A_17 = vector.broadcast %add3A_16 : i32 to vector<16xi32>
      %add3A_18 = arith.addi %mul3A_15, %add3A_17 : vector<16xi32>
      %gather3A = tpu.vector_load_idx %arg5[%broadcast_in_dim3A, %add3A_18] : memref<100x256xi32, #tpu.memory_space<vmem>>[vector<16xi32>, vector<16xi32>], vector<16xi32>,
      %add3A_19 = arith.constant 1 : i32
      %add3A_20 = vector.broadcast %add3A_19 : i32 to vector<16xi32>
      %add3A_21 = arith.addi %add3A_18, %add3A_20 : vector<16xi32>
      %gather3A_22 = tpu.vector_load_idx %arg5[%broadcast_in_dim3A, %add3A_21] : memref<100x256xi32, #tpu.memory_space<vmem>>[vector<16xi32>, vector<16xi32>], vector<16xi32>,
      %mul3A_23 = arith.constant 100 : i32
      %mul3A_24 = vector.broadcast %mul3A_23 : i32 to vector<16xi32>
      %mul3A_25 = arith.muli %gather3A, %mul3A_24 : vector<16xi32>
      %add3A_26 = arith.addi %mul3A_25, %gather3A_22 : vector<16xi32>
      %swap3A = arith.index_cast %scan3A_12 : i32 to index
      %swap3A_27 = arith.constant 0 : index
      %swap3A_28 = tpu.vector_load %arg6[%swap3A, %swap3A_27] {strides = array<i32>} : memref<100x128xi32, #tpu.memory_space<vmem>>, vector<16xi32>,
      tpu.vector_store %arg6[%swap3A, %swap3A_27], %add3A_26 {strides = array<i32>} : memref<100x128xi32, #tpu.memory_space<vmem>>, vector<16xi32>,
      %mul3A_29 = arith.constant 2 : i32
      %mul3A_30 = vector.broadcast %mul3A_29 : i32 to vector<16xi32>
      %mul3A_31 = arith.muli %iota3A, %mul3A_30 : vector<16xi32>
      %add3A_32 = arith.constant 32 : i32
      %add3A_33 = vector.broadcast %add3A_32 : i32 to vector<16xi32>
      %add3A_34 = arith.addi %mul3A_31, %add3A_33 : vector<16xi32>
      %gather3A_35 = tpu.vector_load_idx %arg5[%broadcast_in_dim3A, %add3A_34] : memref<100x256xi32, #tpu.memory_space<vmem>>[vector<16xi32>, vector<16xi32>], vector<16xi32>,
      %add3A_36 = arith.constant 1 : i32
      %add3A_37 = vector.broadcast %add3A_36 : i32 to vector<16xi32>
      %add3A_38 = arith.addi %add3A_34, %add3A_37 : vector<16xi32>
      %gather3A_39 = tpu.vector_load_idx %arg5[%broadcast_in_dim3A, %add3A_38] : memref<100x256xi32, #tpu.memory_space<vmem>>[vector<16xi32>, vector<16xi32>], vector<16xi32>,
      %mul3A_40 = arith.constant 100 : i32
      %mul3A_41 = vector.broadcast %mul3A_40 : i32 to vector<16xi32>
      %mul3A_42 = arith.muli %gather3A_35, %mul3A_41 : vector<16xi32>
      %add3A_43 = arith.addi %mul3A_42, %gather3A_39 : vector<16xi32>
      %swap3A_44 = arith.index_cast %scan3A_12 : i32 to index
      %swap3A_45 = arith.constant 16 : index
      %swap3A_46 = tpu.vector_load %arg6[%swap3A_44, %swap3A_45] {strides = array<i32>} : memref<100x128xi32, #tpu.memory_space<vmem>>, vector<16xi32>,
      tpu.vector_store %arg6[%swap3A_44, %swap3A_45], %add3A_43 {strides = array<i32>} : memref<100x128xi32, #tpu.memory_space<vmem>>, vector<16xi32>,
      %mul3A_47 = arith.constant 2 : i32
      %mul3A_48 = vector.broadcast %mul3A_47 : i32 to vector<16xi32>
      %mul3A_49 = arith.muli %iota3A, %mul3A_48 : vector<16xi32>
      %add3A_50 = arith.constant 64 : i32
      %add3A_51 = vector.broadcast %add3A_50 : i32 to vector<16xi32>
      %add3A_52 = arith.addi %mul3A_49, %add3A_51 : vector<16xi32>
      %gather3A_53 = tpu.vector_load_idx %arg5[%broadcast_in_dim3A, %add3A_52] : memref<100x256xi32, #tpu.memory_space<vmem>>[vector<16xi32>, vector<16xi32>], vector<16xi32>,
      %add3A_54 = arith.constant 1 : i32
      %add3A_55 = vector.broadcast %add3A_54 : i32 to vector<16xi32>
      %add3A_56 = arith.addi %add3A_52, %add3A_55 : vector<16xi32>
      %gather3A_57 = tpu.vector_load_idx %arg5[%broadcast_in_dim3A, %add3A_56] : memref<100x256xi32, #tpu.memory_space<vmem>>[vector<16xi32>, vector<16xi32>], vector<16xi32>,
      %mul3A_58 = arith.constant 100 : i32
      %mul3A_59 = vector.broadcast %mul3A_58 : i32 to vector<16xi32>
      %mul3A_60 = arith.muli %gather3A_53, %mul3A_59 : vector<16xi32>
      %add3A_61 = arith.addi %mul3A_60, %gather3A_57 : vector<16xi32>
      %swap3A_62 = arith.index_cast %scan3A_12 : i32 to index
      %swap3A_63 = arith.constant 32 : index
      %swap3A_64 = tpu.vector_load %arg6[%swap3A_62, %swap3A_63] {strides = array<i32>} : memref<100x128xi32, #tpu.memory_space<vmem>>, vector<16xi32>,
      tpu.vector_store %arg6[%swap3A_62, %swap3A_63], %add3A_61 {strides = array<i32>} : memref<100x128xi32, #tpu.memory_space<vmem>>, vector<16xi32>,
      %mul3A_65 = arith.constant 2 : i32
      %mul3A_66 = vector.broadcast %mul3A_65 : i32 to vector<16xi32>
      %mul3A_67 = arith.muli %iota3A, %mul3A_66 : vector<16xi32>
      %add3A_68 = arith.constant 96 : i32
      %add3A_69 = vector.broadcast %add3A_68 : i32 to vector<16xi32>
      %add3A_70 = arith.addi %mul3A_67, %add3A_69 : vector<16xi32>
      %gather3A_71 = tpu.vector_load_idx %arg5[%broadcast_in_dim3A, %add3A_70] : memref<100x256xi32, #tpu.memory_space<vmem>>[vector<16xi32>, vector<16xi32>], vector<16xi32>,
      %add3A_72 = arith.constant 1 : i32
      %add3A_73 = vector.broadcast %add3A_72 : i32 to vector<16xi32>
      %add3A_74 = arith.addi %add3A_70, %add3A_73 : vector<16xi32>
      %gather3A_75 = tpu.vector_load_idx %arg5[%broadcast_in_dim3A, %add3A_74] : memref<100x256xi32, #tpu.memory_space<vmem>>[vector<16xi32>, vector<16xi32>], vector<16xi32>,
      %mul3A_76 = arith.constant 100 : i32
      %mul3A_77 = vector.broadcast %mul3A_76 : i32 to vector<16xi32>
      %mul3A_78 = arith.muli %gather3A_71, %mul3A_77 : vector<16xi32>
      %add3A_79 = arith.addi %mul3A_78, %gather3A_75 : vector<16xi32>
      %swap3A_80 = arith.index_cast %scan3A_12 : i32 to index
      %swap3A_81 = arith.constant 48 : index
      %swap3A_82 = tpu.vector_load %arg6[%swap3A_80, %swap3A_81] {strides = array<i32>} : memref<100x128xi32, #tpu.memory_space<vmem>>, vector<16xi32>,
      tpu.vector_store %arg6[%swap3A_80, %swap3A_81], %add3A_79 {strides = array<i32>} : memref<100x128xi32, #tpu.memory_space<vmem>>, vector<16xi32>,
      %mul3A_83 = arith.constant 2 : i32
      %mul3A_84 = vector.broadcast %mul3A_83 : i32 to vector<16xi32>
      %mul3A_85 = arith.muli %iota3A, %mul3A_84 : vector<16xi32>
      %add3A_86 = arith.constant 128 : i32
      %add3A_87 = vector.broadcast %add3A_86 : i32 to vector<16xi32>
      %add3A_88 = arith.addi %mul3A_85, %add3A_87 : vector<16xi32>
      %gather3A_89 = tpu.vector_load_idx %arg5[%broadcast_in_dim3A, %add3A_88] : memref<100x256xi32, #tpu.memory_space<vmem>>[vector<16xi32>, vector<16xi32>], vector<16xi32>,
      %add3A_90 = arith.constant 1 : i32
      %add3A_91 = vector.broadcast %add3A_90 : i32 to vector<16xi32>
      %add3A_92 = arith.addi %add3A_88, %add3A_91 : vector<16xi32>
      %gather3A_93 = tpu.vector_load_idx %arg5[%broadcast_in_dim3A, %add3A_92] : memref<100x256xi32, #tpu.memory_space<vmem>>[vector<16xi32>, vector<16xi32>], vector<16xi32>,
      %mul3A_94 = arith.constant 100 : i32
      %mul3A_95 = vector.broadcast %mul3A_94 : i32 to vector<16xi32>
      %mul3A_96 = arith.muli %gather3A_89, %mul3A_95 : vector<16xi32>
      %add3A_97 = arith.addi %mul3A_96, %gather3A_93 : vector<16xi32>
      %swap3A_98 = arith.index_cast %scan3A_12 : i32 to index
      %swap3A_99 = arith.constant 64 : index
      %swap3A_100 = tpu.vector_load %arg6[%swap3A_98, %swap3A_99] {strides = array<i32>} : memref<100x128xi32, #tpu.memory_space<vmem>>, vector<16xi32>,
      tpu.vector_store %arg6[%swap3A_98, %swap3A_99], %add3A_97 {strides = array<i32>} : memref<100x128xi32, #tpu.memory_space<vmem>>, vector<16xi32>,
      %mul3A_101 = arith.constant 2 : i32
      %mul3A_102 = vector.broadcast %mul3A_101 : i32 to vector<16xi32>
      %mul3A_103 = arith.muli %iota3A, %mul3A_102 : vector<16xi32>
      %add3A_104 = arith.constant 160 : i32
      %add3A_105 = vector.broadcast %add3A_104 : i32 to vector<16xi32>
      %add3A_106 = arith.addi %mul3A_103, %add3A_105 : vector<16xi32>
      %gather3A_107 = tpu.vector_load_idx %arg5[%broadcast_in_dim3A, %add3A_106] : memref<100x256xi32, #tpu.memory_space<vmem>>[vector<16xi32>, vector<16xi32>], vector<16xi32>,
      %add3A_108 = arith.constant 1 : i32
      %add3A_109 = vector.broadcast %add3A_108 : i32 to vector<16xi32>
      %add3A_110 = arith.addi %add3A_106, %add3A_109 : vector<16xi32>
      %gather3A_111 = tpu.vector_load_idx %arg5[%broadcast_in_dim3A, %add3A_110] : memref<100x256xi32, #tpu.memory_space<vmem>>[vector<16xi32>, vector<16xi32>], vector<16xi32>,
      %mul3A_112 = arith.constant 100 : i32
      %mul3A_113 = vector.broadcast %mul3A_112 : i32 to vector<16xi32>
      %mul3A_114 = arith.muli %gather3A_107, %mul3A_113 : vector<16xi32>
      %add3A_115 = arith.addi %mul3A_114, %gather3A_111 : vector<16xi32>
      %swap3A_116 = arith.index_cast %scan3A_12 : i32 to index
      %swap3A_117 = arith.constant 80 : index
      %swap3A_118 = tpu.vector_load %arg6[%swap3A_116, %swap3A_117] {strides = array<i32>} : memref<100x128xi32, #tpu.memory_space<vmem>>, vector<16xi32>,
      tpu.vector_store %arg6[%swap3A_116, %swap3A_117], %add3A_115 {strides = array<i32>} : memref<100x128xi32, #tpu.memory_space<vmem>>, vector<16xi32>,
      %mul3A_119 = arith.constant 2 : i32
      %mul3A_120 = vector.broadcast %mul3A_119 : i32 to vector<16xi32>
      %mul3A_121 = arith.muli %iota3A, %mul3A_120 : vector<16xi32>
      %add3A_122 = arith.constant 192 : i32
      %add3A_123 = vector.broadcast %add3A_122 : i32 to vector<16xi32>
      %add3A_124 = arith.addi %mul3A_121, %add3A_123 : vector<16xi32>
      %gather3A_125 = tpu.vector_load_idx %arg5[%broadcast_in_dim3A, %add3A_124] : memref<100x256xi32, #tpu.memory_space<vmem>>[vector<16xi32>, vector<16xi32>], vector<16xi32>,
      %add3A_126 = arith.constant 1 : i32
      %add3A_127 = vector.broadcast %add3A_126 : i32 to vector<16xi32>
      %add3A_128 = arith.addi %add3A_124, %add3A_127 : vector<16xi32>
      %gather3A_129 = tpu.vector_load_idx %arg5[%broadcast_in_dim3A, %add3A_128] : memref<100x256xi32, #tpu.memory_space<vmem>>[vector<16xi32>, vector<16xi32>], vector<16xi32>,
      %mul3A_130 = arith.constant 100 : i32
      %mul3A_131 = vector.broadcast %mul3A_130 : i32 to vector<16xi32>
      %mul3A_132 = arith.muli %gather3A_125, %mul3A_131 : vector<16xi32>
      %add3A_133 = arith.addi %mul3A_132, %gather3A_129 : vector<16xi32>
      %swap3A_134 = arith.index_cast %scan3A_12 : i32 to index
      %swap3A_135 = arith.constant 96 : index
      %swap3A_136 = tpu.vector_load %arg6[%swap3A_134, %swap3A_135] {strides = array<i32>} : memref<100x128xi32, #tpu.memory_space<vmem>>, vector<16xi32>,
      tpu.vector_store %arg6[%swap3A_134, %swap3A_135], %add3A_133 {strides = array<i32>} : memref<100x128xi32, #tpu.memory_space<vmem>>, vector<16xi32>,
      %mul3A_137 = arith.constant 2 : i32
      %mul3A_138 = vector.broadcast %mul3A_137 : i32 to vector<16xi32>
      %mul3A_139 = arith.muli %iota3A, %mul3A_138 : vector<16xi32>
      %add3A_140 = arith.constant 224 : i32
      %add3A_141 = vector.broadcast %add3A_140 : i32 to vector<16xi32>
      %add3A_142 = arith.addi %mul3A_139, %add3A_141 : vector<16xi32>
      %gather3A_143 = tpu.vector_load_idx %arg5[%broadcast_in_dim3A, %add3A_142] : memref<100x256xi32, #tpu.memory_space<vmem>>[vector<16xi32>, vector<16xi32>], vector<16xi32>,
      %add3A_144 = arith.constant 1 : i32
      %add3A_145 = vector.broadcast %add3A_144 : i32 to vector<16xi32>
      %add3A_146 = arith.addi %add3A_142, %add3A_145 : vector<16xi32>
      %gather3A_147 = tpu.vector_load_idx %arg5[%broadcast_in_dim3A, %add3A_146] : memref<100x256xi32, #tpu.memory_space<vmem>>[vector<16xi32>, vector<16xi32>], vector<16xi32>,
      %mul3A_148 = arith.constant 100 : i32
      %mul3A_149 = vector.broadcast %mul3A_148 : i32 to vector<16xi32>
      %mul3A_150 = arith.muli %gather3A_143, %mul3A_149 : vector<16xi32>
      %add3A_151 = arith.addi %mul3A_150, %gather3A_147 : vector<16xi32>
      %swap3A_152 = arith.index_cast %scan3A_12 : i32 to index
      %swap3A_153 = arith.constant 112 : index
      %swap3A_154 = tpu.vector_load %arg6[%swap3A_152, %swap3A_153] {strides = array<i32>} : memref<100x128xi32, #tpu.memory_space<vmem>>, vector<16xi32>,
      tpu.vector_store %arg6[%swap3A_152, %swap3A_153], %add3A_151 {strides = array<i32>} : memref<100x128xi32, #tpu.memory_space<vmem>>, vector<16xi32>,
    }
    %scan3A_5 = arith.constant 100 : i32
    %scan3A_6 = arith.constant 0 : i32
    %scan3A_7 = arith.constant 0 : i32
    %scan3A_8 = arith.constant 100 : i32
    %scan3A_9 = arith.addi %scan3A_7, %scan3A_8 : i32
    %scan3A_10 = arith.constant 1 : i32
    scf.for %scan3A_12 = %scan3A_7 to %scan3A_9 step %scan3A_10  : i32 {
      %dma_start3A = arith.constant 0 : i32
      %dma_start3A_13 = tpu.memref_slice %arg6[%scan3A_12, %dma_start3A] : memref<100x128xi32, #tpu.memory_space<vmem>> -> memref<1x128xi32, #tpu.memory_space<vmem>>
      %dma_start3A_14 = tpu.memref_squeeze %dma_start3A_13 : memref<1x128xi32, #tpu.memory_space<vmem>> -> memref<128xi32, #tpu.memory_space<vmem>>
      %dma_start3A_15 = arith.constant 0 : i32
      %dma_start3A_16 = arith.constant 0 : i32
      %dma_start3A_17 = tpu.memref_slice %arg2[%dma_start3A_15, %dma_start3A_16] : memref<10000x200xf32, #tpu.memory_space<hbm>> -> memref<10000x200xf32, #tpu.memory_space<hbm>>
      tpu.enqueue_indirect_dma source(%dma_start3A_17 : memref<10000x200xf32, #tpu.memory_space<hbm>>) target(%arg7 : memref<128x200xf32, #tpu.memory_space<vmem>>) offsets(%dma_start3A_14 : memref<128xi32, #tpu.memory_space<vmem>>) semaphore(%arg8 : memref<!tpu.dma_semaphore, #tpu.memory_space<semaphore_mem>>)
      %dma_wait3A = arith.constant 0 : i32
      %dma_wait3A_18 = tpu.memref_slice %arg6[%scan3A_12, %dma_wait3A] : memref<100x128xi32, #tpu.memory_space<vmem>> -> memref<1x128xi32, #tpu.memory_space<vmem>>
      %dma_wait3A_19 = tpu.memref_squeeze %dma_wait3A_18 : memref<1x128xi32, #tpu.memory_space<vmem>> -> memref<128xi32, #tpu.memory_space<vmem>>
      %dma_wait3A_20 = arith.constant 0 : i32
      %dma_wait3A_21 = arith.constant 0 : i32
      %dma_wait3A_22 = tpu.memref_slice %arg2[%dma_wait3A_20, %dma_wait3A_21] : memref<10000x200xf32, #tpu.memory_space<hbm>> -> memref<10000x200xf32, #tpu.memory_space<hbm>>
      tpu.wait_indirect_dma semaphore(%arg8 : memref<!tpu.dma_semaphore, #tpu.memory_space<semaphore_mem>>) src(%dma_wait3A_22 : memref<10000x200xf32, #tpu.memory_space<hbm>>) dst(%arg7 : memref<128x200xf32, #tpu.memory_space<vmem>>)
      %mul3A_23 = arith.constant 100 : i32
      %mul3A_24 = arith.muli %add3A, %mul3A_23 : i32
      %add3A_25 = arith.addi %mul3A_24, %scan3A_12 : i32
      "tpu.region"() ({
        %run_scoped3A = tpu.sem_alloc : memref<!tpu.dma_semaphore, #tpu.memory_space<semaphore_mem>>
        %dma_start3A_26 = arith.constant 0 : i32
        %dma_start3A_27 = arith.constant 0 : i32
        %dma_start3A_28 = tpu.memref_slice %arg4[%add3A_25, %dma_start3A_26, %dma_start3A_27] : memref<3200x128x200xf32, #tpu.memory_space<hbm>> -> memref<1x128x200xf32, #tpu.memory_space<hbm>>
        %dma_start3A_29 = tpu.memref_squeeze %dma_start3A_28 : memref<1x128x200xf32, #tpu.memory_space<hbm>> -> memref<128x200xf32, #tpu.memory_space<hbm>>
        %dma_start3A_30 = arith.constant 0 : i32
        %dma_start3A_31 = arith.constant 0 : i32
        %dma_start3A_32 = tpu.memref_slice %arg4[%add3A_25, %dma_start3A_30, %dma_start3A_31] : memref<3200x128x200xf32, #tpu.memory_space<hbm>> -> memref<1x128x200xf32, #tpu.memory_space<hbm>>
        %dma_start3A_33 = tpu.memref_squeeze %dma_start3A_32 : memref<1x128x200xf32, #tpu.memory_space<hbm>> -> memref<128x200xf32, #tpu.memory_space<hbm>>
        tpu.enqueue_dma source(%arg7 : memref<128x200xf32, #tpu.memory_space<vmem>>) target(%dma_start3A_33 : memref<128x200xf32, #tpu.memory_space<hbm>>) target_semaphore(%run_scoped3A : memref<!tpu.dma_semaphore, #tpu.memory_space<semaphore_mem>>)
        %dma_wait3A_34 = arith.constant 0 : i32
        %dma_wait3A_35 = arith.constant 0 : i32
        %dma_wait3A_36 = tpu.memref_slice %arg4[%add3A_25, %dma_wait3A_34, %dma_wait3A_35] : memref<3200x128x200xf32, #tpu.memory_space<hbm>> -> memref<1x128x200xf32, #tpu.memory_space<hbm>>
        %dma_wait3A_37 = tpu.memref_squeeze %dma_wait3A_36 : memref<1x128x200xf32, #tpu.memory_space<hbm>> -> memref<128x200xf32, #tpu.memory_space<hbm>>
        %dma_wait3A_38 = arith.constant 0 : i32
        %dma_wait3A_39 = arith.constant 0 : i32
        %dma_wait3A_40 = tpu.memref_slice %arg4[%add3A_25, %dma_wait3A_38, %dma_wait3A_39] : memref<3200x128x200xf32, #tpu.memory_space<hbm>> -> memref<1x128x200xf32, #tpu.memory_space<hbm>>
        %dma_wait3A_41 = tpu.memref_squeeze %dma_wait3A_40 : memref<1x128x200xf32, #tpu.memory_space<hbm>> -> memref<128x200xf32, #tpu.memory_space<hbm>>
        tpu.wait_dma2 semaphore(%run_scoped3A : memref<!tpu.dma_semaphore, #tpu.memory_space<semaphore_mem>>) src(%arg7 : memref<128x200xf32, #tpu.memory_space<vmem>>) dst(%dma_wait3A_41 : memref<128x200xf32, #tpu.memory_space<hbm>>)
        tpu.yield
      }) : () -> ()
    }
    %scan3A_11 = arith.constant 100 : i32
    return
  }
}

module attributes {stable_mosaic.version = 14 : i64} {
  func.func @_table_body(%arg0: memref<100x64xf32, #tpu.memory_space<vmem>>, %arg1: memref<64x100xf32, #tpu.memory_space<vmem>>, %arg2: memref<1x100xf32, #tpu.memory_space<vmem>>, %arg3: memref<100x100xf32, #tpu.memory_space<vmem>>) attributes {dimension_semantics = [], scalar_prefetch = 0 : i64, scratch_operands = 0 : i64, tpu.core_type = #tpu.core_type<tc>} {
    %get3A = arith.constant 0 : index
    %get3A_0 = arith.constant 0 : index
    %get3A_1 = vector.load %arg0[%get3A, %get3A_0] : memref<100x64xf32, #tpu.memory_space<vmem>>, vector<100x64xf32>
    %get3A_2 = arith.constant 0 : index
    %get3A_3 = arith.constant 0 : index
    %get3A_4 = vector.load %arg1[%get3A_2, %get3A_3] : memref<64x100xf32, #tpu.memory_space<vmem>>, vector<64x100xf32>
    %dot_general3A = arith.constant dense<0.000000e+00> : vector<100x100xf32>
    %dot_general3A_5 = tpu.matmul %get3A_1, %get3A_4, %dot_general3A {dimension_numbers = #tpu.dot_dimension_numbers<[1], [0], [0], [1], [0, 0, 1, 1], [], []>, transpose_lhs_hint = false} : vector<100x64xf32>, vector<64x100xf32>, vector<100x100xf32> -> vector<100x100xf32>
    %get3A_6 = arith.constant 0 : index
    %get3A_7 = arith.constant 0 : index
    %get3A_8 = vector.load %arg2[%get3A_6, %get3A_7] : memref<1x100xf32, #tpu.memory_space<vmem>>, vector<1x100xf32>
    %add3A = vector.broadcast %get3A_8 : vector<1x100xf32> to vector<100x100xf32>
    %add3A_9 = arith.addf %dot_general3A_5, %add3A : vector<100x100xf32>
    %swap3A = arith.constant 0 : index
    %swap3A_10 = arith.constant 0 : index
    %swap3A_11 = vector.load %arg3[%swap3A, %swap3A_10] : memref<100x100xf32, #tpu.memory_space<vmem>>, vector<100x100xf32>
    tpu.vector_store %arg3[%swap3A, %swap3A_10], %add3A_9 {strides = array<i32>} : memref<100x100xf32, #tpu.memory_space<vmem>>, vector<100x100xf32>,
    return
  }
}

module attributes {stable_mosaic.version = 14 : i64} {
  func.func @_pair_body(%arg0: memref<100x100xf32, #tpu.memory_space<vmem>>, %arg1: memref<100x100x2x100xf32, #tpu.memory_space<vmem>>) attributes {dimension_semantics = [], scalar_prefetch = 0 : i64, scratch_operands = 0 : i64, tpu.core_type = #tpu.core_type<tc>} {
    %get3A = arith.constant 0 : index
    %get3A_0 = arith.constant 0 : index
    %get3A_1 = vector.load %arg0[%get3A, %get3A_0] : memref<100x100xf32, #tpu.memory_space<vmem>>, vector<100x100xf32>
    %broadcast_in_dim3A = vector.shape_cast %get3A_1 : vector<100x100xf32> to vector<100x1x100xf32>
    %broadcast_in_dim3A_2 = vector.shape_cast %broadcast_in_dim3A : vector<100x1x100xf32> to vector<100x1x100xf32>
    %broadcast_in_dim3A_3 = vector.broadcast %broadcast_in_dim3A_2 : vector<100x1x100xf32> to vector<100x100x100xf32>
    %swap3A = arith.constant 0 : index
    %swap3A_4 = arith.constant 0 : index
    %swap3A_5 = arith.constant 0 : index
    %swap3A_6 = arith.constant 0 : index
    %swap3A_7 = vector.load %arg1[%swap3A, %swap3A_4, %swap3A_5, %swap3A_6] : memref<100x100x2x100xf32, #tpu.memory_space<vmem>>, vector<100x100x1x100xf32>
    %swap3A_8 = vector.shape_cast %swap3A_7 : vector<100x100x1x100xf32> to vector<100x100x100xf32>
    %swap3A_9 = vector.shape_cast %broadcast_in_dim3A_3 : vector<100x100x100xf32> to vector<100x100x1x100xf32>
    tpu.vector_store %arg1[%swap3A, %swap3A_4, %swap3A_5, %swap3A_6], %swap3A_9 {strides = array<i32>} : memref<100x100x2x100xf32, #tpu.memory_space<vmem>>, vector<100x100x1x100xf32>,
    %broadcast_in_dim3A_10 = vector.shape_cast %get3A_1 : vector<100x100xf32> to vector<1x100x100xf32>
    %broadcast_in_dim3A_11 = vector.shape_cast %broadcast_in_dim3A_10 : vector<1x100x100xf32> to vector<1x100x100xf32>
    %broadcast_in_dim3A_12 = vector.broadcast %broadcast_in_dim3A_11 : vector<1x100x100xf32> to vector<100x100x100xf32>
    %swap3A_13 = arith.constant 0 : index
    %swap3A_14 = arith.constant 0 : index
    %swap3A_15 = arith.constant 1 : index
    %swap3A_16 = arith.constant 0 : index
    %swap3A_17 = vector.load %arg1[%swap3A_13, %swap3A_14, %swap3A_15, %swap3A_16] : memref<100x100x2x100xf32, #tpu.memory_space<vmem>>, vector<100x100x1x100xf32>
    %swap3A_18 = vector.shape_cast %swap3A_17 : vector<100x100x1x100xf32> to vector<100x100x100xf32>
    %swap3A_19 = vector.shape_cast %broadcast_in_dim3A_12 : vector<100x100x100xf32> to vector<100x100x1x100xf32>
    tpu.vector_store %arg1[%swap3A_13, %swap3A_14, %swap3A_15, %swap3A_16], %swap3A_19 {strides = array<i32>} : memref<100x100x2x100xf32, #tpu.memory_space<vmem>>, vector<100x100x1x100xf32>,
    return
  }
}

</mosaic_0001>

<sc_bundles>
// kernel: kernel.5.cloned.1.call-start
scs
__scs_entry_jumppad:
0x0: {  	(pc) =	sbr.rel $0x88, $3  }
0x1: {  	(tag) =	ssettag $0x0;
	lr =	simm.s32 $0x1  }
0x2: {  	[smem:$0x3F9D] =	sst lr;
	_ =	strace $0xD0000000  }
0x3: {  	_ = 	snop  }
0x4: {  	_ = 	snop  }
0x5: {  	_ = 	snop  }
0x6: {  	_ = 	snop  }
0x7: {  	_ = 	snop  }
__scs_overlays_trampoline_lowered:
0x8: {  	[smem:$0x3FAC] =	sst s0  }
0x9: {  	[smem:$0x3FAD] =	sst s1  }
0xa: {  	[smem:$0x3FAE] =	sst s2  }
0xb: {  	[smem:$0x3FAF] =	sst s3  }
0xc: {  	[smem:$0x3FB0] =	sst s4  }
0xd: {  	[smem:$0x3FB1] =	sst s5  }
0xe: {  	[smem:$0x3FB2] =	sst s6  }
0xf: {  	[smem:$0x3FB3] =	sst s7  }
0x10: {  	[smem:$0x3FB4] =	sst s8  }
0x11: {  	[smem:$0x3FB5] =	sst s9;
	s0 =	simm.s32 @!p0 $0x0  }
0x12: {  	s1 =	sld [smem:$0x3F9B];
	s0 =	simm.s32 @p0 $0x1  }
0x13: {  	[smem:$0x3FB6] =	sst s0;
	s0 =	simm.s32 @!p1 $0x0  }
0x14: {  	s2 =	sld [smem:$0x3F9A];
	s0 =	simm.s32 @p1 $0x1  }
0x15: {  	[smem:$0x3FB7] =	sst s0;
	s0 =	simm.s32 @!p2 $0x0  }
0x16: {  	s3 =	sld [smem:$0x3FDB];
	s0 =	simm.s32 @p2 $0x1  }
0x17: {  	s4 =	simm.s32 $0x1BF5;
	[smem:$0x3FB9] =	sst s0  }
0x18: {  	s0 =	sld [smem:$0x3F9C];
	_ =	swait.ge [sflag:s4], $0x0  }
0x19: {  	s7 =	sld [smem:$0x3F9D]  }
0x1a: {  	s8 =	sadd.s32 $0xFFFFE003, lr  }
0x1b: {  	s9 =	sadd.s32 $0xFFFFFEF7, lr;
	s5 =	simm.s32 $0xFFFFFFFF;
	p2 =	slt.u32 s8, $0xFFFFF086  }
0x1c: {  	p1 =	slt.u32 s9, $0xF7A;
	s5 =	simm.s32 @!p2 $0x0  }
0x1d: {  	s5 =	simm.s32 @p1 $0x1;
	p0 =	seq.s32 s7, s2  }
0x1e: {  	s7 =	smul.u32 @!p0 $0xF7A, s2;
	p2 =	seq.s32 @!p0 s5, $0x0  }
0x1f: {  	s9 =	smul.u32 $0xF7A, s1;
	s8 =	simm.s32 @!p0 $0x1BF5;
	p2 =	por !p2, p0  }
0x20: {  	[sflag:s8] =	ssyncset.s32 @!p0 $0xFFFFF086;
	s6 =	sadd.s32 @!p0 s3, s7;
	s7 =	simm.s32 @!p0 $0x108  }
0x21: {  	s3 =	sadd.s32 s3, s9;
	s6 =	sadd.s32 @!p0 $0x88, s6;
	s7 =	simm.s32 @p2 $0x1082  }
0x22: {  	[simem:s7], [sflag:s8] =	dma.local @!p0 [hbm:s6], $0xF7A  }
0x23: {  	s9 =	sor.u32 $0xD0000000, s2;
	s6 =	simm.s32 $0x108;
	_ =	swait.ge @!p0 [sflag:s8], $0x0  }
0x24: {  	s3 =	sadd.s32 $0x88, s3;
	s6 =	simm.s32 @!p1 $0x1082;
	[sflag:s4] =	ssyncset.s32 $0xFFFFF086  }
0x25: {  	[simem:s6], [sflag:s4] =	dma.local [hbm:s3], $0xF7A  }
0x26: {  	[smem:$0x3F9D] =	sst s1;
	(tag) =	ssettag s2;
	_ =	strace s9  }
0x27: {  	s1 =	sld [smem:$0x3FAD]  }
0x28: {  	s2 =	sld [smem:$0x3FAE]  }
0x29: {  	s4 =	sld [smem:$0x3FB0]  }
0x2a: {  	p0 =	seq.s32 s5, $0x0;
	s5 =	sld [smem:$0x3FB1]  }
0x2b: {  	s6 =	sld [smem:$0x3FB2]  }
0x2c: {  	s7 =	sld [smem:$0x3FB3]  }
0x2d: {  	s3 =	simm.s32 $0x108;
	s8 =	sld [smem:$0x3FB4]  }
0x2e: {  	s3 =	simm.s32 @!p0 $0x1082;
	s9 =	sld [smem:$0x3FB5]  }
0x2f: {  	lr =	sadd.s32 s0, s3;
	s0 =	sld [smem:$0x3FAC]  }
0x30: {  	s3 =	sld [smem:$0x3FAF]  }
0x31: {  	[smem:$0x3FB8] =	sst s10  }
0x32: {  	s10 =	sld [smem:$0x3FB6];
	_ =	sdelay $0x3  }
0x33: {  	p0 =	seq.s32 s10, $0x1;
	s10 =	sld [smem:$0x3FB8];
	_ =	sdelay $0x3  }
0x34: {  	[smem:$0x3FB8] =	sst s10  }
0x35: {  	s10 =	sld [smem:$0x3FB7];
	_ =	sdelay $0x3  }
0x36: {  	p1 =	seq.s32 s10, $0x1;
	s10 =	sld [smem:$0x3FB8];
	_ =	sdelay $0x3  }
0x37: {  	[smem:$0x3FB8] =	sst s10  }
0x38: {  	s10 =	sld [smem:$0x3FB9]  }
0x39: {  	_ = 	snop;
	(pc) =	sbr.ind lr, $3  }
0x3a: {  	_ = 	snop  }
0x3b: {  	_ = 	snop  }
0x3c: {  	p2 =	seq.s32 s10, $0x1;
	s10 =	sld [smem:$0x3FB8]  }
0x3d: {  	_ =	shalt  }
0x3e: {  	_ =	shalt  }
0x3f: {  	_ =	shalt  }
0x40: {  	_ =	shalt  }
0x41: {  	_ =	shalt  }
0x42: {  	_ =	shalt  }
0x43: {  	_ =	shalt  }
0x44: {  	_ =	shalt  }
0x45: {  	_ =	shalt  }
0x46: {  	_ =	shalt  }
0x47: {  	_ =	shalt  }
0x48: {  	_ =	shalt  }
0x49: {  	_ =	shalt  }
0x4a: {  	_ =	shalt  }
0x4b: {  	_ =	shalt  }
0x4c: {  	_ =	shalt  }
0x4d: {  	_ =	shalt  }
0x4e: {  	_ =	shalt  }
0x4f: {  	_ =	shalt  }
0x50: {  	_ =	shalt  }
0x51: {  	_ =	shalt  }
0x52: {  	_ =	shalt  }
0x53: {  	_ =	shalt  }
0x54: {  	_ =	shalt  }
0x55: {  	_ =	shalt  }
0x56: {  	_ =	shalt  }
0x57: {  	_ =	shalt  }
0x58: {  	_ =	shalt  }
0x59: {  	_ =	shalt  }
0x5a: {  	_ =	shalt  }
0x5b: {  	_ =	shalt  }
0x5c: {  	_ =	shalt  }
0x5d: {  	_ =	shalt  }
0x5e: {  	_ =	shalt  }
0x5f: {  	_ =	shalt  }
0x60: {  	_ =	shalt  }
0x61: {  	_ =	shalt  }
0x62: {  	_ =	shalt  }
0x63: {  	_ =	shalt  }
0x64: {  	_ =	shalt  }
0x65: {  	_ =	shalt  }
0x66: {  	_ =	shalt  }
0x67: {  	_ =	shalt  }
0x68: {  	_ =	shalt  }
0x69: {  	_ =	shalt  }
0x6a: {  	_ =	shalt  }
0x6b: {  	_ =	shalt  }
0x6c: {  	_ =	shalt  }
0x6d: {  	_ =	shalt  }
0x6e: {  	_ =	shalt  }
0x6f: {  	_ =	shalt  }
0x70: {  	_ =	shalt  }
0x71: {  	_ =	shalt  }
0x72: {  	_ =	shalt  }
0x73: {  	_ =	shalt  }
0x74: {  	_ =	shalt  }
0x75: {  	_ =	shalt  }
0x76: {  	_ =	shalt  }
0x77: {  	_ =	shalt  }
0x78: {  	_ =	shalt  }
0x79: {  	_ =	shalt  }
0x7a: {  	_ =	shalt  }
0x7b: {  	_ =	shalt  }
0x7c: {  	_ =	shalt  }
0x7d: {  	_ =	shalt  }
0x7e: {  	_ =	shalt  }
0x7f: {  	_ =	shalt  }
0x80: {  	_ =	shalt  }
0x81: {  	_ =	shalt  }
0x82: {  	_ =	shalt  }
0x83: {  	_ =	shalt  }
0x84: {  	_ =	shalt  }
0x85: {  	_ =	shalt  }
0x86: {  	_ =	shalt  }
0x87: {  	_ =	shalt  }
.Lfunc_end0:
.L_simem_size_0:
called_computation.1_lowered:
.L_overlay_start_0:
0x88: {  	s2 =	sld [smem:$0x3FD9]  }
0x89: {  	s3 =	sld [smem:$0x3FFE];
	_ =	sdelay $0x1  }
0x8a: {  	s1 =	srdreg.scid  }
0x8b: {  	s0 =	sand.u32 $0x1, s1  }
0x8c: {  	s17 =	sshll.u32 s0, $0xA;
	s2 =	sadd.s32 s3, s2  }
0x8d: {  	s2 =	sadd.s32 s2, s17  }
0x8e: {  	[smem:$0x3FC4] =	sst s2  }
0x8f: {  	_ = 	snop  }
0x90: {  	s2 =	sld [smem:$0x3FD0];
	(tm) =	ssettm $0x1  }
0x91: {  	s18 =	sld [smem:$0x3FFB];
	_ =	sdelay $0x3  }
0x92: {  	_ =	strace s18  }
0x93: {  	s3 =	sld [smem:$0x3FFC];
	_ =	sdelay $0x3  }
0x94: {  	_ =	strace s3  }
0x95: {  	s3 =	sld [smem:$0x3FFD];
	_ =	sdelay $0x3  }
0x96: {  	_ =	strace s3  }
0x97: {  	_ =	strace $0x8FFFFFFF  }
0x98: {  	s19 =	sld [smem:$0x3FDB];
	_ =	sdelay $0x1  }
0x99: {  	s4 =	simm.s32 $_scs_section_size  }
0x9a: {  	s5 =	simm.s32 $_size__tile_overlayer_lowered;
	s6 =	simm.s32 $_tile_overlayer_lowered  }
0x9b: {  	s22 =	simm.s32 $0x1BFF;
	s21 =	sshll.u32 s6, $0x1;
	s3 =	sadd.s32 s4, s19  }
0x9c: {  	s7 =	simm.s32 $0x0;
	s20 =	sshll.u32 s5, $0x1;
	s5 =	sadd.s32 s21, s3  }
0x9d: {  	[timem:s7], [sflag:s22] =	dma.local [hbm:s5], s20  }
0x9e: {  	_ =	swait.ge [sflag:s22], s20  }
0x9f: {  	s4 =	ssub.s32 $0x0, s20;
	[sflag:s22] =	ssyncset.done $0x0  }
0xa0: {  	[sflag:s22] =	ssyncadd.s32 s4;
	_ =	sdelay $0x1  }
0xa1: {  	s23 =	simm.s32 $0x1B8B  }
0xa2: {  	_ =	swait.ge [sflag:s23], $0x1  }
0xa3: {  	[sflag:s23] =	ssyncset.done $0x0  }
0xa4: {  	s25 =	simm.s32 $0x1B8E;
	s24 =	sld [smem:$0x3FFE];
	[sflag:s23] =	ssyncadd.s32 $0xFFFFFFFF  }
0xa5: {  	s26 =	simm.s32 $execute0_lowered;
	[smem:$0x3FD2] =	sst s25  }
0xa6: {  	s5 =	sshll.u32 s26, $0x1;
	_ =	strace $0x80000046;
	[dreg:$0x1] =	wrdreg $0xFFFFFFFF  }
0xa7: {  	s28 =	simm.s32 $_size_execute0_lowered;
	s3 =	sadd.s32 s3, s5;
	[dreg:$0x0] =	wrdreg $0x0  }
0xa8: {  	s5 =	sshll.u32 s28, $0x1;
	[dreg:$0x2] =	wrdreg s3  }
0xa9: {  	[dreg:$0x3] =	wrdreg s5  }
0xaa: {  	[dreg:$0x4] =	wrdreg $0xC0  }
0xab: {  	_ =	task [dreg:s7], $0x5FFFF  }
0xac: {  	[dreg:$0x1] =	wrdreg $0xFFFFFFFF  }
0xad: {  	[dreg:$0x0] =	wrdreg $0x60  }
0xae: {  	[dreg:$0x2] =	wrdreg s24  }
0xaf: {  	[dreg:$0x3] =	wrdreg s2  }
0xb0: {  	[dreg:$0x4] =	wrdreg $0x9  }
0xb1: {  	_ =	task.clear_ibuf [dreg:s7], $0x5FFFF;
	_ =	strace $0x90000046  }
0xb2: {  	s29 =	simm.s32 $0x9;
	_ =	strace $0x80000048  }
0xb3: {  	_ =	swait.ge [sflag:s29], $0x1  }
0xb4: {  	[sflag:s29] =	ssyncadd.s32 $0xFFFFFFFF  }
0xb5: {  	_ =	strace $0x90000048  }
0xb6: {  	_ =	sfence  }
0xb7: {  	s30 =	sld [smem:$0x0];
	_ =	sdelay $0x2  }
0xb8: {  	s31 =	sshll.u32 s1, $0xD;
	s1 =	sshrl.u32 s1, $0x2  }
0xb9: {  	s3 =	sand.u32 $0x4000, s31;
	s1 =	sadd.s32 s1, s30  }
0xba: {  	s0 =	sor.u32 s3, s0;
	s1 =	sshll.u32 s1, $0x11  }
0xbb: {  	s0 =	sor.u32 s1, s0  }
0xbc: {  	s0 =	sadd.s32 $0x8F2B, s0  }
0xbd: {  	[sflag:s0] =	ssyncadd.remote.s32 $0x1  }
0xbe: {  	_ =	sfence.sel $0xFFFF  }
0xbf: {  	[dreg:$0x0] =	wrdreg $0xFFFFFFFF;
	(pc) =	sbr.abs _section_cstart, $3  }
0xc0: {  	[dreg:$0x1] =	wrdreg $0xFFFFFFFF  }
0xc1: {  	_ =	task.clear_ibuf [dreg:s7], $0x2FFFF;
	_ =	strace $0x9FFFFFFF  }
0xc2: {  	(tm) =	ssettm $0x7FFFFFFF  }
0xc3: {  	_ =	shalt  }
tec
execute0_lowered:
.L_overlay_start_1:
0x0: {  	(tag) =	ssettag $0x1  }
0x1: {  	s4 =	rddreg [dreg:$0x0]  }
0x2: {  	s6 =	rddreg [dreg:$0x1]  }
0x3: {  	s0 =	rddreg [dreg:$0x2]  }
0x4: {  	s3 =	srdreg.scid;
	s1 =	stileid.u32  }
0x5: {  	s2 =	simm.s32 $0x0;
	v0 =	vlaneseq.u32;
	s11 =	simm.s32 $0x0;
	s17 =	simm.s32 $0x0  }
0x6: {  	s5 =	sand.u32 $0x1, s3;
	s29 =	sshll.u32 s1, $0x1;
	v0 =	vmul.u32 $0x2, v0;
	s10 =	smul.u32 $0x9C400, s1  }
0x7: {  	[smem:$0x7FF] =	sst s2;
	s3 =	sor.u32 s5, s29;
	s31 =	smul.u32 $0x4E200, s5  }
0x8: {  	_ =	strace $0x80000047;
	s8 =	ssub.s32 $0x2, s5;
	s7 =	smul.u32 $0xC80, s3;
	v1 =	vor.u32 $0x1, v0;
	v2 =	vor.u32 $0x20, v0;
	v3 =	vor.u32 $0x21, v0  }
0x9: {  	s3 =	sadd.s32 $0x19C00, s4;
	s9 =	sshrl.u32 s8, $0x1;
	v4 =	vor.u32 $0x40, v0;
	v5 =	vor.u32 $0x41, v0;
	v6 =	vor.u32 $0x60, v0;
	s6 =	sadd.s32 s10, s6  }
0xa: {  	v7 =	vor.u32 $0x61, v0;
	v8 =	vor.u32 $0x80, v0;
	v9 =	vor.u32 $0x81, v0;
	s10 =	simm.s32 $0x1;
	s30 =	ssub.s32 s8, s9;
	s6 =	sadd.s32 s31, s6  }
0xb: {  	v10 =	vor.u32 $0xA0, v0;
	v11 =	vor.u32 $0xA1, v0;
	v12 =	vor.u32 $0xC0, v0;
	s8 =	simm.s32 $0x80;
	s9 =	simm.s32 $0x9600;
	s4 =	sadd.s32 s7, s4  }
0xc: {  	v13 =	vor.u32 $0xC1, v0;
	v14 =	vor.u32 $0xE0, v0;
	v15 =	vor.u32 $0xE1, v0;
	s5 =	smax.u32 s30, $0x1;
	s7 =	simm.s32 $0x2;
	s4 =	sadd.s32 $0xC00, s4  }
.LBB2_1:
0xd: {  	s13 =	simm.s32 $0x0  }
0xe: {  	v16 =	vor.u32 s13, v0  }
0xf: {  	[tilespmem:s2], [sflag:$0x2] =	stream.linear.gather [hbm4b:s4+s2], $0x6400, $0x38;
	[tilespmem:$0xFA00] =	vst v63  }
0x10: {  	_ =	swait.ge [sflag:s7], $0x6400;
	v17 =	vor.u32 s13, v1  }
0x11: {  	[sflag:s7] =	ssyncset.done $0x0  }
0x12: {  	[sflag:s7] =	ssyncadd.s32 $0xFFFF9C00  }
0x13: {  	v16 =	vld.idx.msk [tilespmem:v16+s2+$0x0], $0xffff;
	_ =	sdelay $0x1  }
0x14: {  	v17 =	vld.idx.msk [tilespmem:v17+s2+$0x0], $0xffff;
	_ =	sdelay $0x1  }
0x15: {  	v18 =	vor.u32 s13, v2  }
0x16: {  	v16 =	vmul.u32 $0x64, v16  }
0x17: {  	v19 =	vor.u32 s13, v3  }
0x18: {  	s12 =	simm.s32 $0x6440;
	v16 =	vadd.s32 v17, v16  }
0x19: {  	[tilespmem:s12+$0xFFFFFFC0] =	vst v16  }
0x1a: {  	v16 =	vld.idx.msk [tilespmem:v18+s2+$0x0], $0xffff;
	_ =	sdelay $0x1  }
0x1b: {  	v17 =	vld.idx.msk [tilespmem:v19+s2+$0x0], $0xffff;
	_ =	sdelay $0x1  }
0x1c: {  	v18 =	vor.u32 s13, v4  }
0x1d: {  	v16 =	vmul.u32 $0x64, v16  }
0x1e: {  	v19 =	vor.u32 s13, v5  }
0x1f: {  	v16 =	vadd.s32 v17, v16  }
0x20: {  	[tilespmem:s12+$0xFFFFFFD0] =	vst v16  }
0x21: {  	v16 =	vld.idx.msk [tilespmem:v18+s2+$0x0], $0xffff;
	_ =	sdelay $0x1  }
0x22: {  	v17 =	vld.idx.msk [tilespmem:v19+s2+$0x0], $0xffff;
	_ =	sdelay $0x1  }
0x23: {  	v18 =	vor.u32 s13, v6  }
0x24: {  	v16 =	vmul.u32 $0x64, v16  }
0x25: {  	v19 =	vor.u32 s13, v7  }
0x26: {  	v16 =	vadd.s32 v17, v16  }
0x27: {  	[tilespmem:s12+$0xFFFFFFE0] =	vst v16  }
0x28: {  	v16 =	vld.idx.msk [tilespmem:v18+s2+$0x0], $0xffff;
	_ =	sdelay $0x1  }
0x29: {  	v17 =	vld.idx.msk [tilespmem:v19+s2+$0x0], $0xffff;
	_ =	sdelay $0x1  }
0x2a: {  	v18 =	vor.u32 s13, v8  }
0x2b: {  	v16 =	vmul.u32 $0x64, v16  }
0x2c: {  	v19 =	vor.u32 s13, v9  }
0x2d: {  	v16 =	vadd.s32 v17, v16  }
0x2e: {  	[tilespmem:s12+$0xFFFFFFF0] =	vst v16  }
0x2f: {  	v16 =	vld.idx.msk [tilespmem:v18+s2+$0x0], $0xffff;
	_ =	sdelay $0x1  }
0x30: {  	v17 =	vld.idx.msk [tilespmem:v19+s2+$0x0], $0xffff;
	_ =	sdelay $0x1  }
0x31: {  	v18 =	vor.u32 s13, v10  }
0x32: {  	v16 =	vmul.u32 $0x64, v16  }
0x33: {  	v19 =	vor.u32 s13, v11  }
0x34: {  	v16 =	vadd.s32 v17, v16  }
0x35: {  	[tilespmem:s12+$0x0] =	vst v16  }
0x36: {  	v16 =	vld.idx.msk [tilespmem:v18+s2+$0x0], $0xffff;
	_ =	sdelay $0x1  }
0x37: {  	v17 =	vld.idx.msk [tilespmem:v19+s2+$0x0], $0xffff;
	_ =	sdelay $0x1  }
0x38: {  	v18 =	vor.u32 s13, v12  }
0x39: {  	v16 =	vmul.u32 $0x64, v16  }
0x3a: {  	v19 =	vor.u32 s13, v13  }
0x3b: {  	v16 =	vadd.s32 v17, v16  }
0x3c: {  	[tilespmem:s12+$0x10] =	vst v16  }
0x3d: {  	v16 =	vld.idx.msk [tilespmem:v18+s2+$0x0], $0xffff;
	_ =	sdelay $0x1  }
0x3e: {  	v17 =	vld.idx.msk [tilespmem:v19+s2+$0x0], $0xffff;
	_ =	sdelay $0x1  }
0x3f: {  	v18 =	vor.u32 s13, v14  }
0x40: {  	v16 =	vmul.u32 $0x64, v16  }
0x41: {  	v19 =	vor.u32 s13, v15  }
0x42: {  	v16 =	vadd.s32 v17, v16  }
0x43: {  	[tilespmem:s12+$0x20] =	vst v16  }
0x44: {  	v16 =	vld.idx.msk [tilespmem:v18+s2+$0x0], $0xffff;
	_ =	sdelay $0x1  }
0x45: {  	v18 =	vld.idx.msk [tilespmem:v19+s2+$0x0], $0xffff  }
0x46: {  	s14 =	simm.s32 $0x100  }
0x47: {  	v17 =	vor.u32 s14, v0  }
0x48: {  	v19 =	vmul.u32 $0x64, v16  }
0x49: {  	v16 =	vor.u32 s14, v1  }
0x4a: {  	s18 =	simm.s32 $0x2;
	s13 =	simm.s32 $0x0;
	v18 =	vadd.s32 v18, v19  }
.LBB2_2:
0x4b: {  	[tilespmem:s12+$0x30] =	vst v18;
	s12 =	sadd.s32 $0x80, s12;
	s16 =	smov.u32 s18;
	s15 =	sadd.s32 $0x1, s18  }
0x4c: {  	p0 =	sne.s32 s18, $0x63;
	v17 =	vld.idx.msk [tilespmem:v17+s13+$0x0], $0xffff;
	_ =	sdelay $0x1  }
0x4d: {  	v16 =	vld.idx.msk [tilespmem:v16+s13+$0x0], $0xffff;
	_ =	sdelay $0x2  }
0x4e: {  	v18 =	vor.u32 s14, v2  }
0x4f: {  	v17 =	vmul.u32 $0x64, v17  }
0x50: {  	v19 =	vor.u32 s14, v3  }
0x51: {  	v16 =	vadd.s32 v16, v17  }
0x52: {  	[tilespmem:s12+$0xFFFFFFC0] =	vst v16  }
0x53: {  	v16 =	vld.idx.msk [tilespmem:v18+s13+$0x0], $0xffff;
	_ =	sdelay $0x1  }
0x54: {  	v17 =	vld.idx.msk [tilespmem:v19+s13+$0x0], $0xffff;
	_ =	sdelay $0x2  }
0x55: {  	v18 =	vor.u32 s14, v4  }
0x56: {  	v16 =	vmul.u32 $0x64, v16  }
0x57: {  	v19 =	vor.u32 s14, v5  }
0x58: {  	v16 =	vadd.s32 v17, v16  }
0x59: {  	[tilespmem:s12+$0xFFFFFFD0] =	vst v16  }
0x5a: {  	v16 =	vld.idx.msk [tilespmem:v18+s13+$0x0], $0xffff;
	_ =	sdelay $0x1  }
0x5b: {  	v17 =	vld.idx.msk [tilespmem:v19+s13+$0x0], $0xffff;
	_ =	sdelay $0x2  }
0x5c: {  	v18 =	vor.u32 s14, v6  }
0x5d: {  	v16 =	vmul.u32 $0x64, v16  }
0x5e: {  	v19 =	vor.u32 s14, v7  }
0x5f: {  	v16 =	vadd.s32 v17, v16  }
0x60: {  	[tilespmem:s12+$0xFFFFFFE0] =	vst v16  }
0x61: {  	v16 =	vld.idx.msk [tilespmem:v18+s13+$0x0], $0xffff;
	_ =	sdelay $0x1  }
0x62: {  	v17 =	vld.idx.msk [tilespmem:v19+s13+$0x0], $0xffff;
	_ =	sdelay $0x2  }
0x63: {  	v18 =	vor.u32 s14, v8  }
0x64: {  	v16 =	vmul.u32 $0x64, v16  }
0x65: {  	v19 =	vor.u32 s14, v9  }
0x66: {  	v16 =	vadd.s32 v17, v16  }
0x67: {  	[tilespmem:s12+$0xFFFFFFF0] =	vst v16  }
0x68: {  	v16 =	vld.idx.msk [tilespmem:v18+s13+$0x0], $0xffff;
	_ =	sdelay $0x1  }
0x69: {  	v17 =	vld.idx.msk [tilespmem:v19+s13+$0x0], $0xffff;
	_ =	sdelay $0x2  }
0x6a: {  	v18 =	vor.u32 s14, v10  }
0x6b: {  	v19 =	vor.u32 s14, v11;
	v16 =	vmul.u32 $0x64, v16;
	_ =	sdelay $0x1  }
0x6c: {  	v16 =	vadd.s32 v17, v16  }
0x6d: {  	[tilespmem:s12+$0x0] =	vst v16  }
0x6e: {  	v16 =	vld.idx.msk [tilespmem:v18+s13+$0x0], $0xffff  }
0x6f: {  	v17 =	vld.idx.msk [tilespmem:v19+s13+$0x0], $0xffff;
	_ =	sdelay $0x3  }
0x70: {  	v18 =	vor.u32 s14, v12  }
0x71: {  	v19 =	vor.u32 s14, v13;
	v16 =	vmul.u32 $0x64, v16;
	_ =	sdelay $0x1  }
0x72: {  	v16 =	vadd.s32 v17, v16  }
0x73: {  	[tilespmem:s12+$0x10] =	vst v16  }
0x74: {  	v16 =	vld.idx.msk [tilespmem:v18+s13+$0x0], $0xffff  }
0x75: {  	v17 =	vld.idx.msk [tilespmem:v19+s13+$0x0], $0xffff;
	_ =	sdelay $0x3  }
0x76: {  	v18 =	vor.u32 s14, v14  }
0x77: {  	v19 =	vor.u32 s14, v15;
	v16 =	vmul.u32 $0x64, v16;
	_ =	sdelay $0x1  }
0x78: {  	v16 =	vadd.s32 v17, v16  }
0x79: {  	[tilespmem:s12+$0x20] =	vst v16  }
0x7a: {  	v18 =	vld.idx.msk [tilespmem:v18+s13+$0x0], $0xffff  }
0x7b: {  	v19 =	vld.idx.msk [tilespmem:v19+s13+$0x0], $0xffff;
	s13 =	smov.u32 s17;
	_ =	sdelay $0x2  }
.Ltmp0:
0x7c: {  	s14 =	sshll.u32 s16, $0x8;
	(pc) =	sbr.rel @p0 .LBB2_2-.Ltmp0, $3  }
0x7d: {  	v17 =	vor.u32 s14, v0;
	v16 =	vor.u32 s14, v1  }
0x7e: {  	v18 =	vmul.u32 $0x64, v18;
	_ =	sdelay $0x1  }
0x7f: {  	s18 =	smov.u32 s15;
	v18 =	vadd.s32 v19, v18  }
0x80: {  	_ =	sdelay $0x2  }
0x81: {  	[tilespmem:s12+$0x30] =	vst v18  }
0x82: {  	v17 =	vld.idx.msk [tilespmem:v17+s13+$0x0], $0xffff;
	_ =	sdelay $0x1  }
0x83: {  	v16 =	vld.idx.msk [tilespmem:v16+s13+$0x0], $0xffff;
	_ =	sdelay $0x1  }
0x84: {  	v51 =	vor.u32 s14, v2  }
0x85: {  	v17 =	vmul.u32 $0x64, v17  }
0x86: {  	v19 =	vor.u32 s14, v3  }
0x87: {  	s30 =	sadd.s32 $0x80, s12;
	v16 =	vadd.s32 v16, v17  }
0x88: {  	[tilespmem:s30+$0xFFFFFFC0] =	vst v16  }
0x89: {  	v16 =	vld.idx.msk [tilespmem:v51+s13+$0x0], $0xffff;
	_ =	sdelay $0x1  }
0x8a: {  	v17 =	vld.idx.msk [tilespmem:v19+s13+$0x0], $0xffff;
	_ =	sdelay $0x1  }
0x8b: {  	v52 =	vor.u32 s14, v4  }
0x8c: {  	v16 =	vmul.u32 $0x64, v16  }
0x8d: {  	v53 =	vor.u32 s14, v5  }
0x8e: {  	v16 =	vadd.s32 v17, v16  }
0x8f: {  	[tilespmem:s30+$0xFFFFFFD0] =	vst v16  }
0x90: {  	v16 =	vld.idx.msk [tilespmem:v52+s13+$0x0], $0xffff;
	_ =	sdelay $0x1  }
0x91: {  	v17 =	vld.idx.msk [tilespmem:v53+s13+$0x0], $0xffff;
	_ =	sdelay $0x1  }
0x92: {  	v54 =	vor.u32 s14, v6  }
0x93: {  	v16 =	vmul.u32 $0x64, v16  }
0x94: {  	v55 =	vor.u32 s14, v7  }
0x95: {  	v16 =	vadd.s32 v17, v16  }
0x96: {  	[tilespmem:s30+$0xFFFFFFE0] =	vst v16  }
0x97: {  	v16 =	vld.idx.msk [tilespmem:v54+s13+$0x0], $0xffff;
	_ =	sdelay $0x1  }
0x98: {  	v17 =	vld.idx.msk [tilespmem:v55+s13+$0x0], $0xffff;
	_ =	sdelay $0x1  }
0x99: {  	v56 =	vor.u32 s14, v8  }
0x9a: {  	v16 =	vmul.u32 $0x64, v16  }
0x9b: {  	v57 =	vor.u32 s14, v9  }
0x9c: {  	v16 =	vadd.s32 v17, v16  }
0x9d: {  	[tilespmem:s30+$0xFFFFFFF0] =	vst v16  }
0x9e: {  	v16 =	vld.idx.msk [tilespmem:v56+s13+$0x0], $0xffff;
	_ =	sdelay $0x1  }
0x9f: {  	v17 =	vld.idx.msk [tilespmem:v57+s13+$0x0], $0xffff;
	_ =	sdelay $0x1  }
0xa0: {  	v58 =	vor.u32 s14, v10  }
0xa1: {  	v16 =	vmul.u32 $0x64, v16  }
0xa2: {  	v59 =	vor.u32 s14, v11  }
0xa3: {  	v16 =	vadd.s32 v17, v16  }
0xa4: {  	[tilespmem:s30+$0x0] =	vst v16  }
0xa5: {  	v16 =	vld.idx.msk [tilespmem:v58+s13+$0x0], $0xffff;
	_ =	sdelay $0x1  }
0xa6: {  	v17 =	vld.idx.msk [tilespmem:v59+s13+$0x0], $0xffff;
	_ =	sdelay $0x1  }
0xa7: {  	v60 =	vor.u32 s14, v12  }
0xa8: {  	v16 =	vmul.u32 $0x64, v16  }
0xa9: {  	v61 =	vor.u32 s14, v13  }
0xaa: {  	v16 =	vadd.s32 v17, v16  }
0xab: {  	[tilespmem:s30+$0x10] =	vst v16  }
0xac: {  	v16 =	vld.idx.msk [tilespmem:v60+s13+$0x0], $0xffff;
	_ =	sdelay $0x1  }
0xad: {  	v17 =	vld.idx.msk [tilespmem:v61+s13+$0x0], $0xffff;
	_ =	sdelay $0x1  }
0xae: {  	v62 =	vor.u32 s14, v14  }
0xaf: {  	v16 =	vmul.u32 $0x64, v16  }
0xb0: {  	v63 =	vor.u32 s14, v15  }
0xb1: {  	v16 =	vadd.s32 v17, v16  }
0xb2: {  	[tilespmem:s30+$0x20] =	vst v16  }
0xb3: {  	v16 =	vld.idx.msk [tilespmem:v62+s13+$0x0], $0xffff;
	_ =	sdelay $0x1  }
0xb4: {  	v17 =	vld.idx.msk [tilespmem:v63+s13+$0x0], $0xffff;
	_ =	sdelay $0x2  }
0xb5: {  	v16 =	vmul.u32 $0x64, v16;
	_ =	sdelay $0x1  }
0xb6: {  	v16 =	vadd.s32 v17, v16  }
0xb7: {  	s31 =	simm.s32 $0x6400;
	[tilespmem:s30+$0x30] =	vst v16  }
0xb8: {  	[tilespmem:s9], [sflag:$0x1] =	stream.indirect.gather [hbm4b:s3+s8], $0xC8, s31, s8, $0xb8;
	[tilespmem:$0xFA00] =	vst v63  }
0xb9: {  	_ =	swait.ge [sflag:s10], $0x6400  }
0xba: {  	[sflag:s10] =	ssyncset.done $0x0  }
0xbb: {  	[sflag:s10] =	ssyncadd.s32 $0xFFFF9C00  }
0xbc: {  	[hbm4b:s6+s2] =	stream.linear.scatter [tilespmem:s9], [sflag:$0x2], $0x6400, $0x38;
	[tilespmem:$0xFA00] =	vst v63  }
0xbd: {  	s14 =	simm.s32 $0x80;
	_ =	swait.ge [sflag:s7], $0x6400  }
0xbe: {  	s12 =	sadd.s32 $0xC80, s6;
	s13 =	simm.s32 $0x400;
	[sflag:s7] =	ssyncset.done $0x0  }
.LBB2_4:
0xbf: {  	s14 =	sadd.s32 $0x6400, s14  }
0xc0: {  	[sflag:s7] =	ssyncadd.s32 $0xFFFF9C00;
	s15 =	smov.u32 s13;
	s16 =	sadd.s32 $0x200, s13  }
0xc1: {  	[tilespmem:s9], [sflag:$0x1] =	stream.indirect.gather [hbm4b:s3+s8], $0xC8, s14, s8, $0xb8;
	[tilespmem:$0xFA00] =	vst v63  }
0xc2: {  	p0 =	sne.s32 s13, $0xC600;
	_ =	swait.ge [sflag:s10], $0x6400  }
.Ltmp1:
0xc3: {  	[sflag:s10] =	ssyncset.done $0x0;
	(pc) =	sbr.rel @p0 .LBB2_4-.Ltmp1, $4  }
0xc4: {  	[sflag:s10] =	ssyncadd.s32 $0xFFFF9C00  }
0xc5: {  	[hbm4b:s12+s2] =	stream.linear.scatter [tilespmem:s9], [sflag:$0x2], $0x6400, $0x38;
	[tilespmem:$0xFA00] =	vst v63  }
0xc6: {  	s14 =	sshra.s32 s15, $0x2;
	_ =	swait.ge [sflag:s7], $0x6400  }
0xc7: {  	s13 =	smov.u32 s16;
	s12 =	sadd.s32 $0xC80, s12;
	[sflag:s7] =	ssyncset.done $0x0  }
0xc8: {  	s13 =	sadd.s32 $0x6400, s14;
	[sflag:s7] =	ssyncadd.s32 $0xFFFF9C00  }
0xc9: {  	[tilespmem:s9], [sflag:$0x1] =	stream.indirect.gather [hbm4b:s3+s8], $0xC8, s13, s8, $0xb8;
	[tilespmem:$0xFA00] =	vst v63  }
0xca: {  	s11 =	sadd.s32 $0x1, s11;
	_ =	swait.ge [sflag:s10], $0x6400  }
0xcb: {  	p0 =	sne.s32 s11, s5;
	[sflag:s10] =	ssyncset.done $0x0  }
.Ltmp2:
0xcc: {  	[sflag:s10] =	ssyncadd.s32 $0xFFFF9C00;
	(pc) =	sbr.rel @p0 .LBB2_1-.Ltmp2, $4  }
0xcd: {  	[hbm4b:s12+s2] =	stream.linear.scatter [tilespmem:s9], [sflag:$0x2], $0x6400, $0x38;
	[tilespmem:$0xFA00] =	vst v63  }
0xce: {  	_ =	swait.ge [sflag:s7], $0x6400  }
0xcf: {  	[sflag:s7] =	ssyncset.done $0x0  }
0xd0: {  	[sflag:s7] =	ssyncadd.s32 $0xFFFF9C00  }
0xd1: {  	_ =	sfence.sel $0x180000  }
0xd2: {  	[bflag:$0x0] =	sbarrier.arrive $0xFFFF  }
0xd3: {  	p0 =	sne.s32 s1, $0x0;
	_ =	strace $0x90000047  }
0xd4: {  	s0 =	sadd.s32 @!p0 $0x100000, s0;
	[bflag:$0x2] =	sbarrier.arrive $0xFFFF  }
0xd5: {  	[sflag:s0] =	ssyncadd.tile.s32 @!p0 $0x1;
	_ =	shalt  }
.Lfunc_end2:
_tile_overlayer_lowered:
.L_overlay_start_2:
0xd6: {  	(tag) =	ssettag $0x2  }
0xd7: {  	s0 =	rddreg [dreg:$0x0];
	s2 =	stileid.u32  }
0xd8: {  	s1 =	rddreg [dreg:$0x1];
	p0 =	sne.s32 s2, $0x0  }
0xd9: {  	s3 =	rddreg [dreg:$0x2];
	[bflag:$0x3] =	sbarrier.arrive $0xFFFF;
	s2 =	simm.s32 @!p0 $0x1C02  }
0xda: {  	[timem:s3], [sflag:s2] =	dma.local @!p0 [hbm:s0], s1  }
0xdb: {  	s0 =	simm.s32 @!p0 $0x2  }
0xdc: {  	_ =	swait.ge @!p0 [sflag:s0], s1  }
0xdd: {  	s1 =	ssub.s32 @!p0 $0x0, s1;
	[sflag:s0] =	ssyncset.done @!p0 $0x0  }
0xde: {  	[sflag:s0] =	ssyncadd.s32 @!p0 s1  }
0xdf: {  	[bflag:$0x3] =	sbarrier.arrive $0xFFFF  }
0xe0: {  	_ =	shalt  }

// kernel: sparse-core-data-format-call.cloned.1.call-start
scs
called_computation_lowered:
.L_overlay_start_0:
0x0: {  	s2 =	sld [smem:$0x3FD9]  }
0x1: {  	s3 =	sld [smem:$0x3FFE];
	_ =	sdelay $0x1  }
0x2: {  	s1 =	srdreg.scid  }
0x3: {  	s0 =	sand.u32 $0x1, s1  }
0x4: {  	s18 =	sshll.u32 s0, $0xA;
	s2 =	sadd.s32 s3, s2  }
0x5: {  	s2 =	sadd.s32 s2, s18  }
0x6: {  	[smem:$0x3FC4] =	sst s2  }
0x7: {  	_ = 	snop  }
0x8: {  	s2 =	sld [smem:$0x3FD0];
	(tm) =	ssettm $0x1  }
0x9: {  	s19 =	sld [smem:$0x3FFB];
	_ =	sdelay $0x3  }
0xa: {  	_ =	strace s19  }
0xb: {  	s3 =	sld [smem:$0x3FFC];
	_ =	sdelay $0x3  }
0xc: {  	_ =	strace s3  }
0xd: {  	s3 =	sld [smem:$0x3FFD];
	_ =	sdelay $0x3  }
0xe: {  	_ =	strace s3  }
0xf: {  	_ =	strace $0x8FFFFFFF  }
0x10: {  	s20 =	sld [smem:$0x3FDB];
	_ =	sdelay $0x1  }
0x11: {  	s4 =	simm.s32 $_scs_section_size  }
0x12: {  	s5 =	simm.s32 $_size__tile_overlayer_lowered;
	s6 =	simm.s32 $_tile_overlayer_lowered  }
0x13: {  	s23 =	simm.s32 $0x1BFF;
	s22 =	sshll.u32 s6, $0x1;
	s3 =	sadd.s32 s4, s20  }
0x14: {  	s7 =	simm.s32 $0x0;
	s21 =	sshll.u32 s5, $0x1;
	s5 =	sadd.s32 s22, s3  }
0x15: {  	[timem:s7], [sflag:s23] =	dma.local [hbm:s5], s21  }
0x16: {  	_ =	swait.ge [sflag:s23], s21  }
0x17: {  	s4 =	ssub.s32 $0x0, s21;
	[sflag:s23] =	ssyncset.done $0x0  }
0x18: {  	[sflag:s23] =	ssyncadd.s32 s4;
	_ =	sdelay $0x1  }
0x19: {  	s24 =	simm.s32 $0x1B8B  }
0x1a: {  	_ =	swait.ge [sflag:s24], $0x1  }
0x1b: {  	[sflag:s24] =	ssyncset.done $0x0  }
0x1c: {  	s26 =	simm.s32 $0x1B8E;
	s25 =	sld [smem:$0x3FFE];
	[sflag:s24] =	ssyncadd.s32 $0xFFFFFFFF  }
0x1d: {  	s27 =	simm.s32 $execute0_lowered;
	[smem:$0x3FD2] =	sst s26  }
0x1e: {  	s5 =	sshll.u32 s27, $0x1;
	_ =	strace $0x80000049;
	[dreg:$0x1] =	wrdreg $0xFFFFFFFF  }
0x1f: {  	s28 =	simm.s32 $_size_execute0_lowered;
	s3 =	sadd.s32 s3, s5;
	[dreg:$0x0] =	wrdreg $0x0  }
0x20: {  	s5 =	sshll.u32 s28, $0x1;
	[dreg:$0x2] =	wrdreg s3  }
0x21: {  	[dreg:$0x3] =	wrdreg s5  }
0x22: {  	[dreg:$0x4] =	wrdreg $0xC0  }
0x23: {  	_ =	task [dreg:s7], $0x5FFFF  }
0x24: {  	[dreg:$0x1] =	wrdreg $0xFFFFFFFF  }
0x25: {  	[dreg:$0x0] =	wrdreg $0x60  }
0x26: {  	[dreg:$0x2] =	wrdreg s25  }
0x27: {  	[dreg:$0x3] =	wrdreg s2  }
0x28: {  	[dreg:$0x4] =	wrdreg $0x9  }
0x29: {  	_ =	task.clear_ibuf [dreg:s7], $0x5FFFF;
	_ =	strace $0x90000049  }
0x2a: {  	s29 =	simm.s32 $0x9;
	_ =	strace $0x8000004B  }
0x2b: {  	_ =	swait.ge [sflag:s29], $0x1  }
0x2c: {  	[sflag:s29] =	ssyncadd.s32 $0xFFFFFFFF  }
0x2d: {  	_ =	strace $0x9000004B  }
0x2e: {  	_ =	sfence  }
0x2f: {  	s30 =	sld [smem:$0x0];
	_ =	sdelay $0x2  }
0x30: {  	s31 =	sshll.u32 s1, $0xD;
	s1 =	sshrl.u32 s1, $0x2  }
0x31: {  	s3 =	sand.u32 $0x4000, s31;
	s1 =	sadd.s32 s1, s30  }
0x32: {  	s0 =	sor.u32 s3, s0;
	s1 =	sshll.u32 s1, $0x11  }
0x33: {  	s0 =	sor.u32 s1, s0  }
0x34: {  	s0 =	sadd.s32 $0x8F2B, s0  }
0x35: {  	[sflag:s0] =	ssyncadd.remote.s32 $0x1  }
0x36: {  	_ =	sfence.sel $0xFFFF  }
0x37: {  	[dreg:$0x0] =	wrdreg $0xFFFFFFFF;
	(pc) =	sbr.abs _section_cstart, $3  }
0x38: {  	[dreg:$0x1] =	wrdreg $0xFFFFFFFF  }
0x39: {  	_ =	task.clear_ibuf [dreg:s7], $0x2FFFF;
	_ =	strace $0x9FFFFFFF  }
0x3a: {  	(tm) =	ssettm $0x7FFFFFFF  }
0x3b: {  	_ =	shalt  }
tec
execute0_lowered:
.L_overlay_start_1:
0x0: {  	(tag) =	ssettag $0x1  }
0x1: {  	s0 =	srdreg.scid  }
0x2: {  	s1 =	sshll.u32 s0, $0x4  }
0x3: {  	s6 =	rddreg [dreg:$0x0];
	s0 =	stileid.u32;
	s1 =	sand.u32 $0x10, s1  }
0x4: {  	s3 =	rddreg [dreg:$0x1];
	s1 =	sor.u32 s0, s1  }
0x5: {  	s5 =	simm.s32 $0x1;
	s31 =	simm.s32 $0x2;
	s2 =	sshll.u32 s1, $0x7  }
0x6: {  	s15 =	simm.s32 $0x0;
	s8 =	simm.s32 $0xC8000;
	s4 =	ssub.s32 $0x1000, s2  }
0x7: {  	s14 =	simm.s32 $0x0;
	s9 =	simm.s32 $0x0;
	s30 =	sand.u32 $0xF80, s4  }
0x8: {  	s10 =	simm.s32 $0x0;
	s11 =	simm.s32 $0x0;
	p0 =	sne.s32 s30, $0x0  }
.Ltmp0:
0x9: {  	s7 =	sshrl.u32 s4, $0xC;
	s5 =	simm.s32 @!p0 $0x0;
	(pc) =	sbr.rel .LBB1_1-.Ltmp0, $4  }
0xa: {  	s13 =	simm.s32 $0x0;
	s1 =	rddreg [dreg:$0x2];
	s5 =	sadd.s32 s5, s7  }
0xb: {  	_ =	strace $0x8000004A;
	s4 =	simm.s32 $0x1;
	s5 =	smul.u32 $0xC8, s5  }
0xc: {  	s6 =	sadd.s32 $0xC00, s6;
	s12 =	smov.u32 s2;
	[sflag:s4] =	ssyncpa.u1 $0x0  }
0xd: {  	[sflag:s31] =	ssyncpa.u1 $0x0;
	p0 =	por $0x0, $0x0;
	s7 =	sor.u32 $0x1, s5  }
.LBB1_4:
0xe: {  	s20 =	sshra.s32 s20, $0x2;
	s27 =	sshll.u32 s9, $0xC  }
0xf: {  	s21 =	sand.u32 $0x78, s10;
	s22 =	sshll.u32 s10, $0x3;
	s24 =	sshll.u32 s9, $0x7  }
0x10: {  	p1 =	sgt.s32 s9, $0xC7;
	s30 =	sshra.s32 s9, $0x1F;
	s25 =	sshra.s32 s10, $0x1F  }
0x11: {  	s19 =	sadd.s32 s20, s19;
	s20 =	sand.u32 $0xFFFF8000, s27;
	s23 =	sand.u32 $0xFFFFFC00, s22  }
0x12: {  	v5 =	vld [tilespmem:s17+$0xFFFFFFD0];
	[tilespmem:s18+$0x2040 ss:$0x81] =	vst.msk $0xffff, v4;
	s22 =	sand.u32 $0xC00, s22;
	s28 =	sand.u32 $0x380, s24;
	s31 =	sand.u32 s30, s9  }
0x13: {  	v58 =	vld [tilespmem:s17+$0xFFFFFFE0];
	[tilespmem:s18+$0x2850 ss:$0x81] =	vst.msk $0xffff, v3;
	s24 =	smov.u32 s10;
	s25 =	sand.u32 s25, s10;
	s20 =	sadd.s32 s23, s20  }
0x14: {  	v59 =	vld [tilespmem:s17+$0xFFFFFFF0];
	[tilespmem:s18+$0x3060 ss:$0x81] =	vst.msk $0xffff, v2;
	s21 =	sor.u32 s21, s22;
	s22 =	smov.u32 s9;
	s20 =	sshrl.u32 s20, $0xC  }
0x15: {  	v60 =	vld [tilespmem:s17+$0x0];
	[tilespmem:s18+$0x0 ss:$0x81] =	vst.msk $0xffff, v1;
	s22 =	simm.s32 @!p1 $0xC7;
	p1 =	sgt.s32 s10, $0xF80;
	s29 =	smulhi.u32 $0x147AE15, s20  }
0x16: {  	v61 =	vld [tilespmem:s17+$0x10];
	[tilespmem:s19+$0x3870 ss:$0x81] =	vst.msk $0xffff, v0;
	s21 =	sor.u32 s28, s21;
	s18 =	ssub.s32 s22, s31;
	s24 =	simm.s32 @!p1 $0xF80  }
0x17: {  	v62 =	vld [tilespmem:s17+$0x20];
	[tilespmem:s19+$0x810 ss:$0x81] =	vst.msk $0xffff, v5;
	s22 =	ssub.s32 s24, s25;
	s26 =	ssub.s32 $0xC8, s18;
	s23 =	smul.u32 $0xC8, s29  }
0x18: {  	v63 =	vld [tilespmem:s17+$0xFFFFFFC0];
	[tilespmem:s19+$0x1020 ss:$0x81] =	vst.msk $0xffff, v58;
	s27 =	sadd.s32 $0xFFFFFF39, s18;
	s18 =	smul.u32 $0x64, s26;
	s28 =	sadd.s32 $0xFFFFF080, s22  }
0x19: {  	[tilespmem:s19+$0x1830 ss:$0x81] =	vst.msk $0xffff, v59;
	p1 =	sgt.s32 s27, $0x0;
	s17 =	ssub.s32 $0x1000, s22;
	p2 =	sgt.s32 s28, $0x7F  }
0x1a: {  	s30 =	sand.u32 $0x7, s10;
	[tilespmem:s19+$0x2040 ss:$0x81] =	vst.msk $0xffff, v60;
	s18 =	simm.s32 @p1 $0x0;
	s17 =	simm.s32 @p2 $0x0  }
0x1b: {  	[tilespmem:s19+$0x2850 ss:$0x81] =	vst.msk $0xffff, v61;
	s29 =	sshrl.u32 s21, $0x3;
	s20 =	ssub.s32 s20, s23;
	s17 =	smul.u32 s17, s18  }
0x1c: {  	[tilespmem:s19+$0x3060 ss:$0x81] =	vst.msk $0xffff, v62;
	s21 =	sshll.u32 s30, $0x12;
	s20 =	sshll.u32 s20, $0x9;
	s18 =	sadd.s32 s3, s29  }
0x1d: {  	[tilespmem:s19+$0x0 ss:$0x81] =	vst.msk $0xffff, v63;
	s31 =	sor.u32 $0x80, s21;
	s18 =	sadd.s32 s20, s18;
	s17 =	sand.u32 $0x3FFFFFFC, s17  }
0x1e: {  	[hbm4b:s18+s31] =	stream.strided.scatter [tilespmem:s16], [sflag:$0x2], s17, s8, s31, $0x20;
	[tilespmem:$0x10100] =	vst v63  }
.LBB1_5:
0x1f: {  	p1 =	slt.u32 s13, $0x2  }
0x20: {  	s17 =	smov.u32 s15;
	p2 =	sgt.s32 @!p1 s15, $0xC7;
	s16 =	sshra.s32 @!p1 s15, $0x1F  }
0x21: {  	p3 =	sgt.s32 @!p1 s14, $0xF80;
	s18 =	sshra.s32 @!p1 s14, $0x1F;
	p2 =	por !p2, p1  }
0x22: {  	s15 =	sand.u32 @!p1 s16, s15;
	p3 =	por !p3, p1;
	s16 =	smov.u32 s14  }
0x23: {  	s14 =	sand.u32 @!p1 s18, s14;
	s17 =	simm.s32 @p2 $0xC7;
	s16 =	simm.s32 @p3 $0xF80  }
0x24: {  	s18 =	smov.u32 s12;
	s15 =	ssub.s32 @!p1 s17, s15;
	s14 =	ssub.s32 @!p1 s16, s14  }
0x25: {  	s16 =	sadd.s32 @!p1 $0xFFFFFF39, s15;
	s15 =	ssub.s32 @!p1 $0xC8, s15;
	s17 =	sadd.s32 @!p1 $0xFFFFF080, s14  }
0x26: {  	p2 =	sgt.s32 @!p1 s16, $0x0;
	s15 =	smul.u32 @!p1 $0x64, s15;
	p3 =	sgt.s32 @!p1 s17, $0x7F  }
0x27: {  	s14 =	ssub.s32 @!p1 $0x1000, s14;
	p2 =	por !p2, p1;
	p3 =	por !p3, p1  }
0x28: {  	s16 =	sadd.s32 $0x1, s11;
	s15 =	simm.s32 @!p2 $0x0;
	s14 =	simm.s32 @!p3 $0x0  }
0x29: {  	p2 =	sgt.s32 s16, $0xC7;
	s14 =	smul.u32 @!p1 s14, s15;
	s15 =	sadd.s32 $0x1000, s12  }
0x2a: {  	s18 =	smov.u32 @p2 s15  }
0x2b: {  	s16 =	simm.s32 @p2 $0x0;
	p2 =	sgt.s32 s18, $0xFFF  }
0x2c: {  	s18 =	smov.u32 @p2 s2;
	p2 =	sne.s32 s13, s7  }
.Ltmp1:
0x2d: {  	p0 =	por !p0, !p0;
	s17 =	simm.s32 @!p1 $0x2;
	(pc) =	sbr.rel @!p2 .LBB1_6-.Ltmp1, $4  }
0x2e: {  	s15 =	smov.u32 s9;
	s9 =	smov.u32 s11;
	s14 =	sand.u32 @!p1 $0x3FFFFFFC, s14  }
0x2f: {  	s11 =	smov.u32 s16;
	_ =	swait.ge @!p1 [sflag:s17], s14;
	s19 =	ssub.s32 @!p1 $0x0, s14  }
0x30: {  	s14 =	smov.u32 s10;
	s13 =	sadd.s32 $0x1, s13;
	[sflag:s17] =	ssyncset.done @!p1 $0x0  }
0x31: {  	s10 =	smov.u32 s12;
	s12 =	smov.u32 s18;
	[sflag:s17] =	ssyncadd.s32 @!p1 s19  }
.LBB1_1:
0x32: {  	p1 =	sge.u32 s13, s5  }
0x33: {  	s16 =	sand.u32 @!p1 $0x1FFFFFF, s11  }
0x34: {  	s17 =	smulhi.u32 @!p1 $0x147AE15, s16;
	_ =	sdelay $0x1  }
0x35: {  	s17 =	smul.u32 @!p1 $0xC8, s17  }
0x36: {  	s18 =	sxor.u32 @!p1 $0xFFFFFFFF, s13;
	s19 =	smul.u32 @!p1 $0xC80, s12  }
0x37: {  	s31 =	sadd.s32 $0xFFFFFFFF, s13;
	s18 =	sshll.u32 @!p1 s18, $0xE;
	s16 =	ssub.s32 @!p1 s16, s17  }
0x38: {  	s17 =	sand.u32 @!p1 $0x4000, s18;
	s18 =	sadd.s32 @!p1 s6, s19;
	s16 =	sshll.u32 @!p1 s16, $0x4  }
0x39: {  	s19 =	simm.s32 @!p1 $0x6400;
	s16 =	sadd.s32 @!p1 s16, s18;
	s18 =	simm.s32 @!p1 $0x80  }
0x3a: {  	[tilespmem:s17], [sflag:$0x1] =	stream.strided.gather @!p1 [hbm4b:s16+s18], $0x4000, s19, s18, $0x38;
	[tilespmem:$0x10100] =	vst v63  }
0x3b: {  	p1 =	sge.u32 s31, s5  }
.Ltmp2:
0x3c: {  	_ = 	snop;
	(pc) =	sbr.rel @p1 .LBB1_5-.Ltmp2, $1  }
0x3d: {  	_ =	sdelay $0x3  }
0x3e: {  	s16 =	simm.s32 $0x1  }
0x3f: {  	_ =	swait.ge [sflag:s4], $0x4000;
	s16 =	simm.s32 @!p0 $0x0  }
0x40: {  	[sflag:s4] =	ssyncset.done $0x0;
	s17 =	sshll.u32 s16, $0xE  }
0x41: {  	[sflag:s4] =	ssyncadd.s32 $0xFFFFC000;
	s17 =	sor.u32 $0x40, s17  }
0x42: {  	s16 =	smul.u32 $0x10200, s16;
	v0 =	vld [tilespmem:s17+$0x30]  }
0x43: {  	v1 =	vld [tilespmem:s17+$0xFFFFFFD0]  }
0x44: {  	s16 =	sshrl.u32 s16, $0x2;
	v5 =	vld [tilespmem:s17+$0xFFFFFFE0]  }
0x45: {  	v6 =	vld [tilespmem:s17+$0xFFFFFFF0];
	s19 =	sor.u32 $0x8000, s16  }
0x46: {  	s31 =	sand.u32 $0x1, s13;
	v4 =	vld [tilespmem:s17+$0x0];
	s18 =	sadd.s32 $0x0, s19  }
0x47: {  	v3 =	vld [tilespmem:s17+$0x10];
	s16 =	smul.u32 $0x10200, s31;
	[tilespmem:s18+$0x3870 ss:$0x81] =	vst.msk $0xffff, v0  }
0x48: {  	v2 =	vld [tilespmem:s17+$0x20];
	[tilespmem:s18+$0x810 ss:$0x81] =	vst.msk $0xffff, v1  }
0x49: {  	s16 =	sshrl.u32 s16, $0x2;
	v1 =	vld [tilespmem:s17+$0xFFFFFFC0];
	[tilespmem:s18+$0x1020 ss:$0x81] =	vst.msk $0xffff, v5;
	s17 =	sadd.s32 $0x80, s17  }
0x4a: {  	s20 =	simm.s32 $0x4;
	s21 =	simm.s32 $0x8;
	s16 =	sor.u32 $0x8000, s16;
	[tilespmem:s18+$0x1830 ss:$0x81] =	vst.msk $0xffff, v6;
	v0 =	vld [tilespmem:s17+$0x30]  }
.LBB1_3:
0x4b: {  	p1 =	sne.s32 s21, $0x1FC;
	v5 =	vld [tilespmem:s17+$0xFFFFFFD0];
	[tilespmem:s18+$0x2040 ss:$0x81] =	vst.msk $0xffff, v4  }
0x4c: {  	v6 =	vld [tilespmem:s17+$0xFFFFFFE0];
	[tilespmem:s18+$0x2850 ss:$0x81] =	vst.msk $0xffff, v3  }
0x4d: {  	s22 =	sshra.s32 s20, $0x2;
	s20 =	smov.u32 s21;
	v7 =	vld [tilespmem:s17+$0xFFFFFFF0];
	[tilespmem:s18+$0x3060 ss:$0x81] =	vst.msk $0xffff, v2  }
.Ltmp3:
0x4e: {  	v4 =	vld [tilespmem:s17+$0x0];
	[tilespmem:s18+$0x0 ss:$0x81] =	vst.msk $0xffff, v1;
	s18 =	sadd.s32 s22, s19;
	(pc) =	sbr.rel @p1 .LBB1_3-.Ltmp3, $4  }
0x4f: {  	v3 =	vld [tilespmem:s17+$0x10];
	[tilespmem:s18+$0x3870 ss:$0x81] =	vst.msk $0xffff, v0  }
0x50: {  	[tilespmem:s18+$0x810 ss:$0x81] =	vst.msk $0xffff, v5;
	v2 =	vld [tilespmem:s17+$0x20]  }
0x51: {  	v1 =	vld [tilespmem:s17+$0xFFFFFFC0];
	[tilespmem:s18+$0x1020 ss:$0x81] =	vst.msk $0xffff, v6;
	s17 =	sadd.s32 $0x80, s17  }
0x52: {  	s21 =	sadd.s32 $0x4, s21;
	v0 =	vld [tilespmem:s17+$0x30];
	[tilespmem:s18+$0x1830 ss:$0x81] =	vst.msk $0xffff, v7  }
.Ltmp4:
0x53: {  	_ = 	snop;
	(pc) =	sbr.rel .LBB1_4-.Ltmp4, $1  }
0x54: {  	_ =	sdelay $0x3  }
.LBB1_6:
0x55: {  	_ =	sfence.sel $0x180000  }
0x56: {  	s2 =	simm.s32 $0x1;
	[bflag:$0x0] =	sbarrier.arrive $0xFFFF  }
0x57: {  	s31 =	simm.s32 $0x2;
	[sflag:s2] =	ssyncpa.u1 $0x1  }
0x58: {  	[sflag:s31] =	ssyncpa.u1 $0x1  }
0x59: {  	p0 =	sne.s32 s0, $0x0;
	_ =	strace $0x9000004A  }
0x5a: {  	s0 =	sadd.s32 @!p0 $0x100000, s1;
	[bflag:$0x2] =	sbarrier.arrive $0xFFFF  }
0x5b: {  	[sflag:s0] =	ssyncadd.tile.s32 @!p0 $0x1;
	_ =	shalt  }
.Lfunc_end1:
_tile_overlayer_lowered:
.L_overlay_start_2:
0x5c: {  	(tag) =	ssettag $0x2  }
0x5d: {  	s0 =	rddreg [dreg:$0x0];
	s2 =	stileid.u32  }
0x5e: {  	s1 =	rddreg [dreg:$0x1];
	p0 =	sne.s32 s2, $0x0  }
0x5f: {  	s3 =	rddreg [dreg:$0x2];
	[bflag:$0x3] =	sbarrier.arrive $0xFFFF;
	s2 =	simm.s32 @!p0 $0x1C01  }
0x60: {  	[timem:s3], [sflag:s2] =	dma.local @!p0 [hbm:s0], s1  }
0x61: {  	s0 =	simm.s32 @!p0 $0x1  }
0x62: {  	_ =	swait.ge @!p0 [sflag:s0], s1  }
0x63: {  	s1 =	ssub.s32 @!p0 $0x0, s1;
	[sflag:s0] =	ssyncset.done @!p0 $0x0  }
0x64: {  	[sflag:s0] =	ssyncadd.s32 @!p0 s1  }
0x65: {  	[bflag:$0x3] =	sbarrier.arrive $0xFFFF  }
0x66: {  	_ =	shalt  }

</sc_bundles>
